<compile_context>
chip_gen: v7x
topology: tpu7x:2x2x1
jax: 0.10.2.dev20260603
libtpu: 0.0.44.dev20260713+nightly
codegen_flags: <defaults>
</compile_context>

<pallas_src>
import functools

import jax
import jax.numpy as jnp
from jax import lax
from jax.experimental import pallas as pl
from jax.experimental.pallas import tpu as pltpu
from jax.experimental.pallas import tpu_sc as plsc

B = 16384
N_SPARSE = 26
N_DENSE = 13
N_COLS = N_SPARSE + N_DENSE
VOCAB = 1000000
L = 16

FIELD_STRIDE = 1 << 20
MAIN_W = (VOCAB // 128) * 128
TAIL = VOCAB - MAIN_W
PAD_W = FIELD_STRIDE - MAIN_W


NBUF = 3


def _read(t_hbm, buf_v, g, rsem):
    return pltpu.make_async_copy(t_hbm.at[g, 0, pl.ds(0, MAIN_W)],
                                 buf_v.at[g % NBUF], rsem)


def _write(o_hbm, buf_v, g, wsem):
    return pltpu.make_async_copy(
        buf_v.at[g % NBUF], o_hbm.at[pl.ds(g * FIELD_STRIDE, MAIN_W)], wsem)


def _pad_write(o_hbm, tz_v, g, psem):
    return pltpu.make_async_copy(
        tz_v.at[g % 2], o_hbm.at[pl.ds(g * FIELD_STRIDE + MAIN_W, PAD_W)],
        psem)


def _untile_body(t_hbm, tail_ref, o_hbm, buf_v, tz_v, rsem, wsem, psem):
    f = pl.program_id(0)

    @pl.when(f == 0)
    def _():
        tz_v[...] = jnp.zeros((2, PAD_W), jnp.float32)
        _read(t_hbm, buf_v, 0, rsem).start()
        _read(t_hbm, buf_v, 1, rsem).start()

    @pl.when(f > 1)
    def _():
        _pad_write(o_hbm, tz_v, f - 2, psem).wait()

    @pl.when(f % 2 == 0)
    def _():
        tz_v[0, pl.ds(0, TAIL)] = tail_ref[f, :]

    @pl.when(f % 2 == 1)
    def _():
        tz_v[1, pl.ds(0, TAIL)] = tail_ref[f, :]
    _read(t_hbm, buf_v, f, rsem).wait()
    _write(o_hbm, buf_v, f, wsem).start()
    _pad_write(o_hbm, tz_v, f, psem).start()

    @pl.when(f + 2 < N_SPARSE)
    def _():
        @pl.when(f >= 1)
        def _():
            _write(o_hbm, buf_v, f - 1, wsem).wait()

        _read(t_hbm, buf_v, f + 2, rsem).start()

    @pl.when(f == N_SPARSE - 1)
    def _():
        _write(o_hbm, buf_v, f - 2, wsem).wait()
        _write(o_hbm, buf_v, f - 1, wsem).wait()
        _write(o_hbm, buf_v, f, wsem).wait()
        _pad_write(o_hbm, tz_v, f - 1, psem).wait()
        _pad_write(o_hbm, tz_v, f, psem).wait()


def _tc_untile(emb_tables):
    return pl.pallas_call(
        _untile_body,
        grid=(N_SPARSE,),
        in_specs=[
            pl.BlockSpec(memory_space=pltpu.HBM),
            pl.BlockSpec((N_SPARSE, TAIL), lambda f: (0, 0)),
        ],
        out_specs=pl.BlockSpec(memory_space=pltpu.HBM),
        out_shape=jax.ShapeDtypeStruct((N_SPARSE * FIELD_STRIDE,),
                                       jnp.float32),
        scratch_shapes=[
            pltpu.VMEM((NBUF, MAIN_W), jnp.float32),
            pltpu.VMEM((2, PAD_W), jnp.float32),
            pltpu.SemaphoreType.DMA,
            pltpu.SemaphoreType.DMA,
            pltpu.SemaphoreType.DMA,
        ],
    )(emb_tables.transpose(0, 2, 1), emb_tables[:, MAIN_W:, 0])


def _build_lookup_kernel():
    info = plsc.get_sparse_core_info()
    nc, ns = info.num_cores, info.num_subcores
    nw = nc * ns
    rows_w = B // nw
    blocks_w = rows_w // L
    n_idx = N_SPARSE * rows_w

    mesh = plsc.VectorSubcoreMesh(core_axis_name="c", subcore_axis_name="s")

    @functools.partial(
        pl.kernel,
        out_type=jax.ShapeDtypeStruct((B,), jnp.float32),
        mesh=mesh,
        scratch_types=[
            pltpu.VMEM((N_COLS, rows_w), jnp.float32),
            pltpu.VMEM((n_idx,), jnp.int32),
            pltpu.VMEM((n_idx,), jnp.float32),
            pltpu.VMEM((N_DENSE * L,), jnp.float32),
            pltpu.VMEM((rows_w,), jnp.float32),
            pltpu.SemaphoreType.DMA,
        ],
    )
    def lookup_kernel(xt_hbm, flat_hbm, wb_hbm, out_hbm, xt_v, idx_v, gath_v,
                      wb_v, out_v, sem):
        wid = lax.axis_index("s") * nc + lax.axis_index("c")
        base_row = wid * rows_w

        pltpu.sync_copy(xt_hbm.at[:, pl.ds(base_row, rows_w)], xt_v)
        pltpu.sync_copy(wb_hbm, wb_v)

        def idx_body(t, _):
            f = t // blocks_w
            blk = t % blocks_w
            xv = xt_v[f, pl.ds(blk * L, L)]
            idx_v[pl.ds(t * L, L)] = xv.astype(jnp.int32) + f * FIELD_STRIDE
            return 0

        lax.fori_loop(0, N_SPARSE * blocks_w, idx_body, 0)

        pltpu.async_copy(flat_hbm.at[idx_v], gath_v, sem).wait()

        def blk_body(blk, _):
            def red_body(f, acc):
                g = gath_v[pl.ds(f * rows_w + blk * L, L)]
                return acc + g

            acc = lax.fori_loop(0, N_SPARSE, red_body,
                                jnp.zeros((L,), jnp.float32))

            def dense_body(d, dacc):
                xv = xt_v[N_SPARSE + d, pl.ds(blk * L, L)]
                wv = wb_v[pl.ds(d * L, L)]
                return dacc + xv * wv

            acc = lax.fori_loop(0, N_DENSE, dense_body, acc)
            out_v[pl.ds(blk * L, L)] = 1.0 / (1.0 + jnp.exp(-acc))
            return 0

        lax.fori_loop(0, blocks_w, blk_body, 0)

        pltpu.sync_copy(out_v, out_hbm.at[pl.ds(base_row, rows_w)])

    return lookup_kernel


def kernel(X, emb_tables, dense_weight):
    xt = X.T
    w_bcast = jnp.repeat(dense_weight.reshape(-1), L)
    flat = _tc_untile(emb_tables)
    out = _build_lookup_kernel()(xt, flat, w_bcast)
    return out[:, None]

# --- scband reference (transcript-rebuilt; emitter-appended) ---
"""Pipeline reference for scband-base-model-65489661329640 (READ-ONLY COPY).

The authoritative reference and input builder live on the scoring server;
editing this copy changes nothing except your own understanding.
"""

import jax, jax.numpy as jnp
import numpy as np

B = 16384
N_SPARSE = 26
N_DENSE = 13
VOCAB = 1000000
INIT_STD = 1e-4


def setup_inputs(seed: int = 0) -> dict:
    key = jax.random.key(seed)
    k1, k2, k3, k4 = jax.random.split(key, 4)
    # X layout: first 26 columns are sparse feature indices (stored as float,
    # cast to long inside forward, exactly like deepctr), last 13 are dense values.
    sparse_part = jax.random.randint(k1, (B, N_SPARSE), 0, VOCAB).astype(jnp.float32)
    dense_part = jax.random.uniform(k2, (B, N_DENSE), dtype=jnp.float32)
    X = jnp.concatenate([sparse_part, dense_part], axis=-1)
    # Linear-part embedding tables: one [VOCAB, 1] table per sparse field,
    # stacked into [N_SPARSE, VOCAB, 1]. init N(0, init_std).
    emb_tables = jax.random.normal(k3, (N_SPARSE, VOCAB, 1), dtype=jnp.float32) * INIT_STD
    # Dense linear weight [sum(dense dims), 1].
    dense_weight = jax.random.normal(k4, (N_DENSE, 1), dtype=jnp.float32) * INIT_STD
    return {"X": X, "emb_tables": emb_tables, "dense_weight": dense_weight}


def reference(X, emb_tables, dense_weight):
    # Linear.forward
    sparse_idx = jax.lax.stop_gradient(X[:, :N_SPARSE]).astype(jnp.int32)  # .long() in torch
    field_ids = jnp.arange(N_SPARSE)
    # per-field embedding lookup -> [B, N_SPARSE, 1]; torch cat(dim=-1) of [B,1,1] -> [B,1,26]
    gathered = emb_tables[field_ids[None, :], sparse_idx]  # [B, N_SPARSE, 1]
    # torch.sum(cat, dim=-1) over the concatenated embedding axis -> [B, 1]
    linear_sparse_logit = jnp.sum(gathered, axis=(1, 2))[:, None]
    dense_values = X[:, N_SPARSE:]  # [B, N_DENSE]
    linear_dense_logit = dense_values @ dense_weight  # [B, 1]
    linear_logit = linear_sparse_logit + linear_dense_logit
    # PredictionLayer(task='binary') -> sigmoid
    out = jax.nn.sigmoid(linear_logit)
    return out


if False:  # reference __main__ guard neutralized (emitter)
    inp = setup_inputs()
    o = reference(**inp)
    print(o.shape, o.dtype)

if __name__ == "__main__":
    import jax
    _d = setup_inputs()
    print(jax.jit(kernel)(*tuple(_d.values())))

</pallas_src>

<mosaic_0001>
#map = affine_map<(d0, d1) -> (0, 0)>
#map1 = affine_map<(d0, d1) -> (0)>
module attributes {stable_mosaic.version = 14 : i64} {
  func.func @lookup_kernel(%arg0: i32, %arg1: i32, %arg2: memref<39x16384xf32, #tpu.memory_space<hbm>>, %arg3: memref<27262976xf32, #tpu.memory_space<hbm>>, %arg4: memref<208xf32, #tpu.memory_space<hbm>>, %arg5: memref<16384xf32, #tpu.memory_space<hbm>>, %arg6: memref<39x512xf32, #tpu.memory_space<vmem>>, %arg7: memref<13312xi32, #tpu.memory_space<vmem>>, %arg8: memref<13312xf32, #tpu.memory_space<vmem>>, %arg9: memref<208xf32, #tpu.memory_space<vmem>>, %arg10: memref<512xf32, #tpu.memory_space<vmem>>, %arg11: memref<!tpu.dma_semaphore, #tpu.memory_space<semaphore_mem>>) attributes {dimension_semantics = [#tpu.dimension_semantics<core_parallel>, #tpu.dimension_semantics<subcore_parallel>], iteration_bounds = array<i64: 2, 16>, scalar_prefetch = 0 : i64, scratch_operands = 6 : i64, tpu.core_type = #tpu.core_type<sc_vector_subcore>, window_params = [{transform_indices = #map}, {transform_indices = #map1}, {transform_indices = #map1}, {transform_indices = #map1}]} {
    %mul3A = arith.constant 2 : i32
    %mul3A_0 = arith.muli %arg1, %mul3A : i32
    %add3A = arith.addi %mul3A_0, %arg0 : i32
    %mul3A_1 = arith.constant 512 : i32
    %mul3A_2 = arith.muli %add3A, %mul3A_1 : i32
    "tpu.region"() ({
      %run_scoped3A = tpu.sem_alloc : memref<!tpu.dma_semaphore, #tpu.memory_space<semaphore_mem>>
      %dma_start3A_18 = arith.constant 0 : i32
      %dma_start3A_19 = tpu.memref_slice %arg2[%dma_start3A_18, %mul3A_2] : memref<39x16384xf32, #tpu.memory_space<hbm>> -> memref<39x512xf32, #tpu.memory_space<hbm>>
      %dma_start3A_20 = arith.constant 0 : i32
      %dma_start3A_21 = tpu.memref_slice %arg2[%dma_start3A_20, %mul3A_2] : memref<39x16384xf32, #tpu.memory_space<hbm>> -> memref<39x512xf32, #tpu.memory_space<hbm>>
      tpu.enqueue_dma source(%dma_start3A_21 : memref<39x512xf32, #tpu.memory_space<hbm>>) target(%arg6 : memref<39x512xf32, #tpu.memory_space<vmem>>) target_semaphore(%run_scoped3A : memref<!tpu.dma_semaphore, #tpu.memory_space<semaphore_mem>>)
      %dma_wait3A_22 = arith.constant 0 : i32
      %dma_wait3A_23 = tpu.memref_slice %arg2[%dma_wait3A_22, %mul3A_2] : memref<39x16384xf32, #tpu.memory_space<hbm>> -> memref<39x512xf32, #tpu.memory_space<hbm>>
      %dma_wait3A_24 = arith.constant 0 : i32
      %dma_wait3A_25 = tpu.memref_slice %arg2[%dma_wait3A_24, %mul3A_2] : memref<39x16384xf32, #tpu.memory_space<hbm>> -> memref<39x512xf32, #tpu.memory_space<hbm>>
      tpu.wait_dma2 semaphore(%run_scoped3A : memref<!tpu.dma_semaphore, #tpu.memory_space<semaphore_mem>>) src(%dma_wait3A_25 : memref<39x512xf32, #tpu.memory_space<hbm>>) dst(%arg6 : memref<39x512xf32, #tpu.memory_space<vmem>>)
      tpu.yield
    }) : () -> ()
    "tpu.region"() ({
      %run_scoped3A = tpu.sem_alloc : memref<!tpu.dma_semaphore, #tpu.memory_space<semaphore_mem>>
      tpu.enqueue_dma source(%arg4 : memref<208xf32, #tpu.memory_space<hbm>>) target(%arg9 : memref<208xf32, #tpu.memory_space<vmem>>) target_semaphore(%run_scoped3A : memref<!tpu.dma_semaphore, #tpu.memory_space<semaphore_mem>>)
      tpu.wait_dma2 semaphore(%run_scoped3A : memref<!tpu.dma_semaphore, #tpu.memory_space<semaphore_mem>>) src(%arg4 : memref<208xf32, #tpu.memory_space<hbm>>) dst(%arg9 : memref<208xf32, #tpu.memory_space<vmem>>)
      tpu.yield
    }) : () -> ()
    %scan3A = arith.constant 0 : i32
    %scan3A_3 = arith.constant 0 : i32
    %scan3A_4 = arith.constant 832 : i32
    %scan3A_5 = arith.addi %scan3A_3, %scan3A_4 : i32
    %scan3A_6 = arith.constant 1 : i32
    %scan3A_7 = scf.for %scan3A_18 = %scan3A_3 to %scan3A_5 step %scan3A_6 iter_args(%scan3A_19 = %scan3A) -> (i32)  : i32 {
      %jit3A = arith.constant 32 : i32
      %div3A = arith.divsi %scan3A_18, %jit3A : i32
      %sign3A = arith.constant 0 : i32
      %sign3A_20 = arith.cmpi sgt, %scan3A_18, %sign3A : i32
      %sign3A_21 = arith.extui %sign3A_20 : i1 to i32
      %sign3A_22 = arith.constant 0 : i32
      %sign3A_23 = arith.cmpi slt, %scan3A_18, %sign3A_22 : i32
      %sign3A_24 = arith.extui %sign3A_23 : i1 to i32
      %sign3A_25 = arith.subi %sign3A_21, %sign3A_24 : i32
      %sign3A_26 = arith.constant 0 : i32
      %sign3A_27 = arith.cmpi sgt, %jit3A, %sign3A_26 : i32
      %sign3A_28 = arith.extui %sign3A_27 : i1 to i32
      %sign3A_29 = arith.constant 0 : i32
      %sign3A_30 = arith.cmpi slt, %jit3A, %sign3A_29 : i32
      %sign3A_31 = arith.extui %sign3A_30 : i1 to i32
      %sign3A_32 = arith.subi %sign3A_28, %sign3A_31 : i32
      %ne3A = arith.cmpi ne, %sign3A_25, %sign3A_32 : i32
      %rem3A = arith.remsi %scan3A_18, %jit3A : i32
      %ne3A_33 = arith.constant 0 : i32
      %ne3A_34 = arith.cmpi ne, %rem3A, %ne3A_33 : i32
      %and3A = arith.andi %ne3A, %ne3A_34 : i1
      %sub3A = arith.constant 1 : i32
      %sub3A_35 = arith.subi %div3A, %sub3A : i32
      %select_n3A = arith.select %and3A, %sub3A_35, %div3A : i32
      %jit3A_36 = arith.constant 32 : i32
      %eq3A = arith.constant 0 : i32
      %eq3A_37 = arith.cmpi eq, %jit3A_36, %eq3A : i32
      %jit3A_38 = arith.constant 1 : i32
      %select_n3A_39 = arith.select %eq3A_37, %jit3A_38, %jit3A_36 : i32
      %rem3A_40 = arith.remsi %scan3A_18, %select_n3A_39 : i32
      %ne3A_41 = arith.constant 0 : i32
      %ne3A_42 = arith.cmpi ne, %rem3A_40, %ne3A_41 : i32
      %lt3A = arith.constant 0 : i32
      %lt3A_43 = arith.cmpi slt, %rem3A_40, %lt3A : i32
      %lt3A_44 = arith.constant 0 : i32
      %lt3A_45 = arith.cmpi slt, %select_n3A_39, %lt3A_44 : i32
      %ne3A_46 = arith.xori %lt3A_43, %lt3A_45 : i1
      %and3A_47 = arith.andi %ne3A_46, %ne3A_42 : i1
      %add3A_48 = arith.addi %rem3A_40, %select_n3A_39 : i32
      %select_n3A_49 = arith.select %and3A_47, %add3A_48, %rem3A_40 : i32
      %mul3A_50 = arith.constant 16 : i32
      %mul3A_51 = arith.muli %select_n3A_49, %mul3A_50 : i32
      %get3A = arith.index_cast %select_n3A : i32 to index
      %get3A_52 = arith.index_cast %mul3A_51 : i32 to index
      %get3A_53 = tpu.vector_load %arg6[%get3A, %get3A_52] {strides = array<i32>} : memref<39x512xf32, #tpu.memory_space<vmem>>, vector<1x16xf32>,
      %get3A_54 = vector.shape_cast %get3A_53 : vector<1x16xf32> to vector<16xf32>
      %convert_element_type3A = arith.fptosi %get3A_54 : vector<16xf32> to vector<16xi32>
      %mul3A_55 = arith.constant 1048576 : i32
      %mul3A_56 = arith.muli %select_n3A, %mul3A_55 : i32
      %add3A_57 = vector.broadcast %mul3A_56 : i32 to vector<16xi32>
      %add3A_58 = arith.addi %convert_element_type3A, %add3A_57 : vector<16xi32>
      %mul3A_59 = arith.constant 16 : i32
      %mul3A_60 = arith.muli %scan3A_18, %mul3A_59 : i32
      %swap3A = arith.index_cast %mul3A_60 : i32 to index
      %swap3A_61 = tpu.vector_load %arg7[%swap3A] {strides = array<i32>} : memref<13312xi32, #tpu.memory_space<vmem>>, vector<16xi32>,
      %swap3A_62 = vector.shape_cast %swap3A_61 : vector<16xi32> to vector<16xi32>
      %swap3A_63 = vector.shape_cast %add3A_58 : vector<16xi32> to vector<16xi32>
      tpu.vector_store %arg7[%swap3A], %swap3A_63 {strides = array<i32>} : memref<13312xi32, #tpu.memory_space<vmem>>, vector<16xi32>,
      %scan3A_64 = arith.constant 0 : i32
      scf.yield %scan3A_64 : i32
    }
    %scan3A_8 = arith.constant 832 : i32
    %dma_start3A = arith.constant 0 : i32
    %dma_start3A_9 = tpu.memref_slice %arg3[%dma_start3A] : memref<27262976xf32, #tpu.memory_space<hbm>> -> memref<27262976xf32, #tpu.memory_space<hbm>>
    tpu.enqueue_indirect_dma source(%dma_start3A_9 : memref<27262976xf32, #tpu.memory_space<hbm>>) target(%arg8 : memref<13312xf32, #tpu.memory_space<vmem>>) offsets(%arg7 : memref<13312xi32, #tpu.memory_space<vmem>>) semaphore(%arg11 : memref<!tpu.dma_semaphore, #tpu.memory_space<semaphore_mem>>)
    %dma_wait3A = arith.constant 0 : i32
    %dma_wait3A_10 = tpu.memref_slice %arg3[%dma_wait3A] : memref<27262976xf32, #tpu.memory_space<hbm>> -> memref<27262976xf32, #tpu.memory_space<hbm>>
    tpu.wait_indirect_dma semaphore(%arg11 : memref<!tpu.dma_semaphore, #tpu.memory_space<semaphore_mem>>) src(%dma_wait3A_10 : memref<27262976xf32, #tpu.memory_space<hbm>>) dst(%arg8 : memref<13312xf32, #tpu.memory_space<vmem>>)
    %scan3A_11 = arith.constant 0 : i32
    %scan3A_12 = arith.constant 0 : i32
    %scan3A_13 = arith.constant 32 : i32
    %scan3A_14 = arith.addi %scan3A_12, %scan3A_13 : i32
    %scan3A_15 = arith.constant 1 : i32
    %scan3A_16 = scf.for %scan3A_18 = %scan3A_12 to %scan3A_14 step %scan3A_15 iter_args(%scan3A_19 = %scan3A_11) -> (i32)  : i32 {
      %broadcast_in_dim3A = arith.constant 0.000000e+00 : f32
      %broadcast_in_dim3A_20 = vector.broadcast %broadcast_in_dim3A : f32 to vector<16xf32>
      %scan3A_21 = arith.constant 0 : i32
      %scan3A_22 = arith.constant 26 : i32
      %scan3A_23 = arith.addi %scan3A_21, %scan3A_22 : i32
      %scan3A_24 = arith.constant 1 : i32
      %scan3A_25 = scf.for %scan3A_46 = %scan3A_21 to %scan3A_23 step %scan3A_24 iter_args(%scan3A_47 = %broadcast_in_dim3A_20) -> (vector<16xf32>)  : i32 {
        %mul3A_48 = arith.constant 512 : i32
        %mul3A_49 = arith.muli %scan3A_46, %mul3A_48 : i32
        %mul3A_50 = arith.constant 16 : i32
        %mul3A_51 = arith.muli %scan3A_18, %mul3A_50 : i32
        %add3A_52 = arith.addi %mul3A_49, %mul3A_51 : i32
        %get3A = arith.index_cast %add3A_52 : i32 to index
        %get3A_53 = tpu.vector_load %arg8[%get3A] {strides = array<i32>} : memref<13312xf32, #tpu.memory_space<vmem>>, vector<16xf32>,
        %get3A_54 = vector.shape_cast %get3A_53 : vector<16xf32> to vector<16xf32>
        %add3A_55 = arith.addf %scan3A_47, %get3A_54 : vector<16xf32>
        scf.yield %add3A_55 : vector<16xf32>
      }
      %scan3A_26 = arith.constant 26 : i32
      %scan3A_27 = arith.constant 0 : i32
      %scan3A_28 = arith.constant 13 : i32
      %scan3A_29 = arith.addi %scan3A_27, %scan3A_28 : i32
      %scan3A_30 = arith.constant 1 : i32
      %scan3A_31 = scf.for %scan3A_46 = %scan3A_27 to %scan3A_29 step %scan3A_30 iter_args(%scan3A_47 = %scan3A_25) -> (vector<16xf32>)  : i32 {
        %add3A_48 = arith.constant 26 : i32
        %add3A_49 = arith.addi %add3A_48, %scan3A_46 : i32
        %mul3A_50 = arith.constant 16 : i32
        %mul3A_51 = arith.muli %scan3A_18, %mul3A_50 : i32
        %get3A = arith.index_cast %add3A_49 : i32 to index
        %get3A_52 = arith.index_cast %mul3A_51 : i32 to index
        %get3A_53 = tpu.vector_load %arg6[%get3A, %get3A_52] {strides = array<i32>} : memref<39x512xf32, #tpu.memory_space<vmem>>, vector<1x16xf32>,
        %get3A_54 = vector.shape_cast %get3A_53 : vector<1x16xf32> to vector<16xf32>
        %mul3A_55 = arith.constant 16 : i32
        %mul3A_56 = arith.muli %scan3A_46, %mul3A_55 : i32
        %get3A_57 = arith.index_cast %mul3A_56 : i32 to index
        %get3A_58 = tpu.vector_load %arg9[%get3A_57] {strides = array<i32>} : memref<208xf32, #tpu.memory_space<vmem>>, vector<16xf32>,
        %get3A_59 = vector.shape_cast %get3A_58 : vector<16xf32> to vector<16xf32>
        %mul3A_60 = arith.mulf %get3A_54, %get3A_59 : vector<16xf32>
        %add3A_61 = arith.addf %scan3A_47, %mul3A_60 : vector<16xf32>
        scf.yield %add3A_61 : vector<16xf32>
      }
      %scan3A_32 = arith.constant 13 : i32
      %neg3A = arith.constant 0.000000e+00 : f32
      %neg3A_33 = vector.broadcast %neg3A : f32 to vector<16xf32>
      %neg3A_34 = arith.subf %neg3A_33, %scan3A_31 : vector<16xf32>
      %exp3A = math.exp %neg3A_34 : vector<16xf32>
      %add3A_35 = arith.constant 1.000000e+00 : f32
      %add3A_36 = vector.broadcast %add3A_35 : f32 to vector<16xf32>
      %add3A_37 = arith.addf %add3A_36, %exp3A : vector<16xf32>
      %div3A = arith.constant 1.000000e+00 : f32
      %div3A_38 = vector.broadcast %div3A : f32 to vector<16xf32>
      %div3A_39 = arith.divf %div3A_38, %add3A_37 : vector<16xf32>
      %mul3A_40 = arith.constant 16 : i32
      %mul3A_41 = arith.muli %scan3A_18, %mul3A_40 : i32
      %swap3A = arith.index_cast %mul3A_41 : i32 to index
      %swap3A_42 = tpu.vector_load %arg10[%swap3A] {strides = array<i32>} : memref<512xf32, #tpu.memory_space<vmem>>, vector<16xf32>,
      %swap3A_43 = vector.shape_cast %swap3A_42 : vector<16xf32> to vector<16xf32>
      %swap3A_44 = vector.shape_cast %div3A_39 : vector<16xf32> to vector<16xf32>
      tpu.vector_store %arg10[%swap3A], %swap3A_44 {strides = array<i32>} : memref<512xf32, #tpu.memory_space<vmem>>, vector<16xf32>,
      %scan3A_45 = arith.constant 0 : i32
      scf.yield %scan3A_45 : i32
    }
    %scan3A_17 = arith.constant 32 : i32
    "tpu.region"() ({
      %run_scoped3A = tpu.sem_alloc : memref<!tpu.dma_semaphore, #tpu.memory_space<semaphore_mem>>
      %dma_start3A_18 = tpu.memref_slice %arg5[%mul3A_2] : memref<16384xf32, #tpu.memory_space<hbm>> -> memref<512xf32, #tpu.memory_space<hbm>>
      %dma_start3A_19 = tpu.memref_slice %arg5[%mul3A_2] : memref<16384xf32, #tpu.memory_space<hbm>> -> memref<512xf32, #tpu.memory_space<hbm>>
      tpu.enqueue_dma source(%arg10 : memref<512xf32, #tpu.memory_space<vmem>>) target(%dma_start3A_19 : memref<512xf32, #tpu.memory_space<hbm>>) target_semaphore(%run_scoped3A : memref<!tpu.dma_semaphore, #tpu.memory_space<semaphore_mem>>)
      %dma_wait3A_20 = tpu.memref_slice %arg5[%mul3A_2] : memref<16384xf32, #tpu.memory_space<hbm>> -> memref<512xf32, #tpu.memory_space<hbm>>
      %dma_wait3A_21 = tpu.memref_slice %arg5[%mul3A_2] : memref<16384xf32, #tpu.memory_space<hbm>> -> memref<512xf32, #tpu.memory_space<hbm>>
      tpu.wait_dma2 semaphore(%run_scoped3A : memref<!tpu.dma_semaphore, #tpu.memory_space<semaphore_mem>>) src(%arg10 : memref<512xf32, #tpu.memory_space<vmem>>) dst(%dma_wait3A_21 : memref<512xf32, #tpu.memory_space<hbm>>)
      tpu.yield
    }) : () -> ()
    return
  }
}

module attributes {stable_mosaic.version = 14 : i64} {
  func.func @_untile_body(%arg0: i32, %arg1: memref<26x1x1000000xf32, #tpu.memory_space<hbm>>, %arg2: memref<26x64xf32, #tpu.memory_space<vmem>>, %arg3: memref<27262976xf32, #tpu.memory_space<hbm>>, %arg4: memref<3x999936xf32, #tpu.memory_space<vmem>>, %arg5: memref<2x48640xf32, #tpu.memory_space<vmem>>, %arg6: memref<!tpu.dma_semaphore, #tpu.memory_space<semaphore_mem>>, %arg7: memref<!tpu.dma_semaphore, #tpu.memory_space<semaphore_mem>>, %arg8: memref<!tpu.dma_semaphore, #tpu.memory_space<semaphore_mem>>) attributes {dimension_semantics = [#tpu.dimension_semantics<arbitrary>], iteration_bounds = array<i64: 26>, scalar_prefetch = 0 : i64, scratch_operands = 5 : i64, tpu.core_type = #tpu.core_type<tc>, window_params = [{}, {pipeline_mode = #tpu.pipeline_mode<synchronous>, transform_indices = @transform_1, window_bounds = array<i64: 26, 64>}, {}]} {
    %eq3A = arith.constant 0 : i32
    %eq3A_0 = arith.cmpi eq, %arg0, %eq3A : i32
    %convert_element_type3A = arith.extui %eq3A_0 : i1 to i32
    %cond3A = arith.constant 0 : i32
    %cond3A_1 = arith.cmpi ne, %convert_element_type3A, %cond3A : i32
    scf.if %cond3A_1 {
      %broadcast_in_dim3A = arith.constant 0.000000e+00 : f32
      %broadcast_in_dim3A_119 = vector.broadcast %broadcast_in_dim3A : f32 to vector<2x48640xf32>
      %swap3A = arith.constant 0 : index
      %swap3A_120 = arith.constant 0 : index
      %swap3A_121 = vector.load %arg5[%swap3A, %swap3A_120] : memref<2x48640xf32, #tpu.memory_space<vmem>>, vector<2x48640xf32>
      tpu.vector_store %arg5[%swap3A, %swap3A_120], %broadcast_in_dim3A_119 {strides = array<i32>} : memref<2x48640xf32, #tpu.memory_space<vmem>>, vector<2x48640xf32>,
      %dma_start3A_122 = arith.constant 0 : i32
      %dma_start3A_123 = arith.constant 0 : i32
      %dma_start3A_124 = arith.constant 0 : i32
      %dma_start3A_125 = arith.constant 0 : i32
      %dma_start3A_126 = tpu.memref_slice %arg4[%dma_start3A_124, %dma_start3A_125] : memref<3x999936xf32, #tpu.memory_space<vmem>> -> memref<1x999936xf32, #tpu.memory_space<vmem>>
      %dma_start3A_127 = tpu.memref_squeeze %dma_start3A_126 : memref<1x999936xf32, #tpu.memory_space<vmem>> -> memref<999936xf32, #tpu.memory_space<vmem>>
      %dma_start3A_128 = arith.constant 0 : i32
      %dma_start3A_129 = tpu.memref_slice %arg1[%dma_start3A_122, %dma_start3A_123, %dma_start3A_128] : memref<26x1x1000000xf32, #tpu.memory_space<hbm>> -> memref<1x1x999936xf32, #tpu.memory_space<hbm>>
      %dma_start3A_130 = tpu.memref_squeeze %dma_start3A_129 : memref<1x1x999936xf32, #tpu.memory_space<hbm>> -> memref<999936xf32, #tpu.memory_space<hbm>>
      tpu.enqueue_dma source(%dma_start3A_130 : memref<999936xf32, #tpu.memory_space<hbm>>) target(%dma_start3A_127 : memref<999936xf32, #tpu.memory_space<vmem>>) target_semaphore(%arg6 : memref<!tpu.dma_semaphore, #tpu.memory_space<semaphore_mem>>)
      %dma_start3A_131 = arith.constant 1 : i32
      %dma_start3A_132 = arith.constant 0 : i32
      %dma_start3A_133 = arith.constant 1 : i32
      %dma_start3A_134 = arith.constant 0 : i32
      %dma_start3A_135 = tpu.memref_slice %arg4[%dma_start3A_133, %dma_start3A_134] : memref<3x999936xf32, #tpu.memory_space<vmem>> -> memref<1x999936xf32, #tpu.memory_space<vmem>>
      %dma_start3A_136 = tpu.memref_squeeze %dma_start3A_135 : memref<1x999936xf32, #tpu.memory_space<vmem>> -> memref<999936xf32, #tpu.memory_space<vmem>>
      %dma_start3A_137 = arith.constant 0 : i32
      %dma_start3A_138 = tpu.memref_slice %arg1[%dma_start3A_131, %dma_start3A_132, %dma_start3A_137] : memref<26x1x1000000xf32, #tpu.memory_space<hbm>> -> memref<1x1x999936xf32, #tpu.memory_space<hbm>>
      %dma_start3A_139 = tpu.memref_squeeze %dma_start3A_138 : memref<1x1x999936xf32, #tpu.memory_space<hbm>> -> memref<999936xf32, #tpu.memory_space<hbm>>
      tpu.enqueue_dma source(%dma_start3A_139 : memref<999936xf32, #tpu.memory_space<hbm>>) target(%dma_start3A_136 : memref<999936xf32, #tpu.memory_space<vmem>>) target_semaphore(%arg6 : memref<!tpu.dma_semaphore, #tpu.memory_space<semaphore_mem>>)
    } else {
    }
    %gt3A = arith.constant 1 : i32
    %gt3A_2 = arith.cmpi sgt, %arg0, %gt3A : i32
    %convert_element_type3A_3 = arith.extui %gt3A_2 : i1 to i32
    %cond3A_4 = arith.constant 0 : i32
    %cond3A_5 = arith.cmpi ne, %convert_element_type3A_3, %cond3A_4 : i32
    scf.if %cond3A_5 {
      %sub3A = arith.constant 2 : i32
      %sub3A_119 = arith.subi %arg0, %sub3A : i32
      %jit3A_120 = arith.constant 2 : i32
      %eq3A_121 = arith.constant 0 : i32
      %eq3A_122 = arith.cmpi eq, %jit3A_120, %eq3A_121 : i32
      %jit3A_123 = arith.constant 1 : i32
      %select_n3A_124 = arith.select %eq3A_122, %jit3A_123, %jit3A_120 : i32
      %rem3A_125 = arith.remsi %sub3A_119, %select_n3A_124 : i32
      %ne3A_126 = arith.constant 0 : i32
      %ne3A_127 = arith.cmpi ne, %rem3A_125, %ne3A_126 : i32
      %lt3A_128 = arith.constant 0 : i32
      %lt3A_129 = arith.cmpi slt, %rem3A_125, %lt3A_128 : i32
      %lt3A_130 = arith.constant 0 : i32
      %lt3A_131 = arith.cmpi slt, %select_n3A_124, %lt3A_130 : i32
      %ne3A_132 = arith.xori %lt3A_129, %lt3A_131 : i1
      %and3A_133 = arith.andi %ne3A_132, %ne3A_127 : i1
      %add3A_134 = arith.addi %rem3A_125, %select_n3A_124 : i32
      %select_n3A_135 = arith.select %and3A_133, %add3A_134, %rem3A_125 : i32
      %mul3A_136 = arith.constant 1048576 : i32
      %mul3A_137 = arith.muli %sub3A_119, %mul3A_136 : i32
      %add3A_138 = arith.constant 999936 : i32
      %add3A_139 = arith.addi %mul3A_137, %add3A_138 : i32
      %dma_wait3A_140 = tpu.memref_slice %arg3[%add3A_139] : memref<27262976xf32, #tpu.memory_space<hbm>> -> memref<48640xf32, #tpu.memory_space<hbm>>
      %dma_wait3A_141 = arith.constant 0 : i32
      %dma_wait3A_142 = tpu.memref_slice %arg5[%select_n3A_135, %dma_wait3A_141] : memref<2x48640xf32, #tpu.memory_space<vmem>> -> memref<1x48640xf32, #tpu.memory_space<vmem>>
      %dma_wait3A_143 = tpu.memref_squeeze %dma_wait3A_142 : memref<1x48640xf32, #tpu.memory_space<vmem>> -> memref<48640xf32, #tpu.memory_space<vmem>>
      tpu.wait_dma2 semaphore(%arg8 : memref<!tpu.dma_semaphore, #tpu.memory_space<semaphore_mem>>) src(%dma_wait3A_143 : memref<48640xf32, #tpu.memory_space<vmem>>) dst(%dma_wait3A_140 : memref<48640xf32, #tpu.memory_space<hbm>>)
    } else {
    }
    %jit3A = arith.constant 2 : i32
    %eq3A_6 = arith.constant 0 : i32
    %eq3A_7 = arith.cmpi eq, %jit3A, %eq3A_6 : i32
    %jit3A_8 = arith.constant 1 : i32
    %select_n3A = arith.select %eq3A_7, %jit3A_8, %jit3A : i32
    %rem3A = arith.remsi %arg0, %select_n3A : i32
    %ne3A = arith.constant 0 : i32
    %ne3A_9 = arith.cmpi ne, %rem3A, %ne3A : i32
    %lt3A = arith.constant 0 : i32
    %lt3A_10 = arith.cmpi slt, %rem3A, %lt3A : i32
    %lt3A_11 = arith.constant 0 : i32
    %lt3A_12 = arith.cmpi slt, %select_n3A, %lt3A_11 : i32
    %ne3A_13 = arith.xori %lt3A_10, %lt3A_12 : i1
    %and3A = arith.andi %ne3A_13, %ne3A_9 : i1
    %add3A = arith.addi %rem3A, %select_n3A : i32
    %select_n3A_14 = arith.select %and3A, %add3A, %rem3A : i32
    %eq3A_15 = arith.constant 0 : i32
    %eq3A_16 = arith.cmpi eq, %select_n3A_14, %eq3A_15 : i32
    %convert_element_type3A_17 = arith.extui %eq3A_16 : i1 to i32
    %cond3A_18 = arith.constant 0 : i32
    %cond3A_19 = arith.cmpi ne, %convert_element_type3A_17, %cond3A_18 : i32
    scf.if %cond3A_19 {
      %get3A = arith.index_cast %arg0 : i32 to index
      %get3A_119 = arith.constant 0 : index
      %get3A_120 = vector.load %arg2[%get3A, %get3A_119] : memref<26x64xf32, #tpu.memory_space<vmem>>, vector<1x64xf32>
      %get3A_121 = vector.shape_cast %get3A_120 : vector<1x64xf32> to vector<64xf32>
      %swap3A = arith.constant 0 : index
      %swap3A_122 = arith.constant 0 : index
      %swap3A_123 = vector.load %arg5[%swap3A, %swap3A_122] : memref<2x48640xf32, #tpu.memory_space<vmem>>, vector<1x64xf32>
      %swap3A_124 = vector.shape_cast %swap3A_123 : vector<1x64xf32> to vector<64xf32>
      %swap3A_125 = vector.shape_cast %get3A_121 : vector<64xf32> to vector<1x64xf32>
      tpu.vector_store %arg5[%swap3A, %swap3A_122], %swap3A_125 {strides = array<i32>} : memref<2x48640xf32, #tpu.memory_space<vmem>>, vector<1x64xf32>,
    } else {
    }
    %jit3A_20 = arith.constant 2 : i32
    %eq3A_21 = arith.constant 0 : i32
    %eq3A_22 = arith.cmpi eq, %jit3A_20, %eq3A_21 : i32
    %jit3A_23 = arith.constant 1 : i32
    %select_n3A_24 = arith.select %eq3A_22, %jit3A_23, %jit3A_20 : i32
    %rem3A_25 = arith.remsi %arg0, %select_n3A_24 : i32
    %ne3A_26 = arith.constant 0 : i32
    %ne3A_27 = arith.cmpi ne, %rem3A_25, %ne3A_26 : i32
    %lt3A_28 = arith.constant 0 : i32
    %lt3A_29 = arith.cmpi slt, %rem3A_25, %lt3A_28 : i32
    %lt3A_30 = arith.constant 0 : i32
    %lt3A_31 = arith.cmpi slt, %select_n3A_24, %lt3A_30 : i32
    %ne3A_32 = arith.xori %lt3A_29, %lt3A_31 : i1
    %and3A_33 = arith.andi %ne3A_32, %ne3A_27 : i1
    %add3A_34 = arith.addi %rem3A_25, %select_n3A_24 : i32
    %select_n3A_35 = arith.select %and3A_33, %add3A_34, %rem3A_25 : i32
    %eq3A_36 = arith.constant 1 : i32
    %eq3A_37 = arith.cmpi eq, %select_n3A_35, %eq3A_36 : i32
    %convert_element_type3A_38 = arith.extui %eq3A_37 : i1 to i32
    %cond3A_39 = arith.constant 0 : i32
    %cond3A_40 = arith.cmpi ne, %convert_element_type3A_38, %cond3A_39 : i32
    scf.if %cond3A_40 {
      %get3A = arith.index_cast %arg0 : i32 to index
      %get3A_119 = arith.constant 0 : index
      %get3A_120 = vector.load %arg2[%get3A, %get3A_119] : memref<26x64xf32, #tpu.memory_space<vmem>>, vector<1x64xf32>
      %get3A_121 = vector.shape_cast %get3A_120 : vector<1x64xf32> to vector<64xf32>
      %swap3A = arith.constant 1 : index
      %swap3A_122 = arith.constant 0 : index
      %swap3A_123 = vector.load %arg5[%swap3A, %swap3A_122] : memref<2x48640xf32, #tpu.memory_space<vmem>>, vector<1x64xf32>
      %swap3A_124 = vector.shape_cast %swap3A_123 : vector<1x64xf32> to vector<64xf32>
      %swap3A_125 = vector.shape_cast %get3A_121 : vector<64xf32> to vector<1x64xf32>
      tpu.vector_store %arg5[%swap3A, %swap3A_122], %swap3A_125 {strides = array<i32>} : memref<2x48640xf32, #tpu.memory_space<vmem>>, vector<1x64xf32>,
    } else {
    }
    %jit3A_41 = arith.constant 3 : i32
    %eq3A_42 = arith.constant 0 : i32
    %eq3A_43 = arith.cmpi eq, %jit3A_41, %eq3A_42 : i32
    %jit3A_44 = arith.constant 1 : i32
    %select_n3A_45 = arith.select %eq3A_43, %jit3A_44, %jit3A_41 : i32
    %rem3A_46 = arith.remsi %arg0, %select_n3A_45 : i32
    %ne3A_47 = arith.constant 0 : i32
    %ne3A_48 = arith.cmpi ne, %rem3A_46, %ne3A_47 : i32
    %lt3A_49 = arith.constant 0 : i32
    %lt3A_50 = arith.cmpi slt, %rem3A_46, %lt3A_49 : i32
    %lt3A_51 = arith.constant 0 : i32
    %lt3A_52 = arith.cmpi slt, %select_n3A_45, %lt3A_51 : i32
    %ne3A_53 = arith.xori %lt3A_50, %lt3A_52 : i1
    %and3A_54 = arith.andi %ne3A_53, %ne3A_48 : i1
    %add3A_55 = arith.addi %rem3A_46, %select_n3A_45 : i32
    %select_n3A_56 = arith.select %and3A_54, %add3A_55, %rem3A_46 : i32
    %dma_wait3A = arith.constant 0 : i32
    %dma_wait3A_57 = arith.constant 0 : i32
    %dma_wait3A_58 = tpu.memref_slice %arg4[%select_n3A_56, %dma_wait3A_57] : memref<3x999936xf32, #tpu.memory_space<vmem>> -> memref<1x999936xf32, #tpu.memory_space<vmem>>
    %dma_wait3A_59 = tpu.memref_squeeze %dma_wait3A_58 : memref<1x999936xf32, #tpu.memory_space<vmem>> -> memref<999936xf32, #tpu.memory_space<vmem>>
    %dma_wait3A_60 = arith.constant 0 : i32
    %dma_wait3A_61 = tpu.memref_slice %arg1[%arg0, %dma_wait3A, %dma_wait3A_60] : memref<26x1x1000000xf32, #tpu.memory_space<hbm>> -> memref<1x1x999936xf32, #tpu.memory_space<hbm>>
    %dma_wait3A_62 = tpu.memref_squeeze %dma_wait3A_61 : memref<1x1x999936xf32, #tpu.memory_space<hbm>> -> memref<999936xf32, #tpu.memory_space<hbm>>
    tpu.wait_dma2 semaphore(%arg6 : memref<!tpu.dma_semaphore, #tpu.memory_space<semaphore_mem>>) src(%dma_wait3A_62 : memref<999936xf32, #tpu.memory_space<hbm>>) dst(%dma_wait3A_59 : memref<999936xf32, #tpu.memory_space<vmem>>)
    %jit3A_63 = arith.constant 3 : i32
    %eq3A_64 = arith.constant 0 : i32
    %eq3A_65 = arith.cmpi eq, %jit3A_63, %eq3A_64 : i32
    %jit3A_66 = arith.constant 1 : i32
    %select_n3A_67 = arith.select %eq3A_65, %jit3A_66, %jit3A_63 : i32
    %rem3A_68 = arith.remsi %arg0, %select_n3A_67 : i32
    %ne3A_69 = arith.constant 0 : i32
    %ne3A_70 = arith.cmpi ne, %rem3A_68, %ne3A_69 : i32
    %lt3A_71 = arith.constant 0 : i32
    %lt3A_72 = arith.cmpi slt, %rem3A_68, %lt3A_71 : i32
    %lt3A_73 = arith.constant 0 : i32
    %lt3A_74 = arith.cmpi slt, %select_n3A_67, %lt3A_73 : i32
    %ne3A_75 = arith.xori %lt3A_72, %lt3A_74 : i1
    %and3A_76 = arith.andi %ne3A_75, %ne3A_70 : i1
    %add3A_77 = arith.addi %rem3A_68, %select_n3A_67 : i32
    %select_n3A_78 = arith.select %and3A_76, %add3A_77, %rem3A_68 : i32
    %mul3A = arith.constant 1048576 : i32
    %mul3A_79 = arith.muli %arg0, %mul3A : i32
    %dma_start3A = tpu.memref_slice %arg3[%mul3A_79] : memref<27262976xf32, #tpu.memory_space<hbm>> -> memref<999936xf32, #tpu.memory_space<hbm>>
    %dma_start3A_80 = arith.constant 0 : i32
    %dma_start3A_81 = tpu.memref_slice %arg4[%select_n3A_78, %dma_start3A_80] : memref<3x999936xf32, #tpu.memory_space<vmem>> -> memref<1x999936xf32, #tpu.memory_space<vmem>>
    %dma_start3A_82 = tpu.memref_squeeze %dma_start3A_81 : memref<1x999936xf32, #tpu.memory_space<vmem>> -> memref<999936xf32, #tpu.memory_space<vmem>>
    tpu.enqueue_dma source(%dma_start3A_82 : memref<999936xf32, #tpu.memory_space<vmem>>) target(%dma_start3A : memref<999936xf32, #tpu.memory_space<hbm>>) target_semaphore(%arg7 : memref<!tpu.dma_semaphore, #tpu.memory_space<semaphore_mem>>)
    %jit3A_83 = arith.constant 2 : i32
    %eq3A_84 = arith.constant 0 : i32
    %eq3A_85 = arith.cmpi eq, %jit3A_83, %eq3A_84 : i32
    %jit3A_86 = arith.constant 1 : i32
    %select_n3A_87 = arith.select %eq3A_85, %jit3A_86, %jit3A_83 : i32
    %rem3A_88 = arith.remsi %arg0, %select_n3A_87 : i32
    %ne3A_89 = arith.constant 0 : i32
    %ne3A_90 = arith.cmpi ne, %rem3A_88, %ne3A_89 : i32
    %lt3A_91 = arith.constant 0 : i32
    %lt3A_92 = arith.cmpi slt, %rem3A_88, %lt3A_91 : i32
    %lt3A_93 = arith.constant 0 : i32
    %lt3A_94 = arith.cmpi slt, %select_n3A_87, %lt3A_93 : i32
    %ne3A_95 = arith.xori %lt3A_92, %lt3A_94 : i1
    %and3A_96 = arith.andi %ne3A_95, %ne3A_90 : i1
    %add3A_97 = arith.addi %rem3A_88, %select_n3A_87 : i32
    %select_n3A_98 = arith.select %and3A_96, %add3A_97, %rem3A_88 : i32
    %mul3A_99 = arith.constant 1048576 : i32
    %mul3A_100 = arith.muli %arg0, %mul3A_99 : i32
    %add3A_101 = arith.constant 999936 : i32
    %add3A_102 = arith.addi %mul3A_100, %add3A_101 : i32
    %dma_start3A_103 = tpu.memref_slice %arg3[%add3A_102] : memref<27262976xf32, #tpu.memory_space<hbm>> -> memref<48640xf32, #tpu.memory_space<hbm>>
    %dma_start3A_104 = arith.constant 0 : i32
    %dma_start3A_105 = tpu.memref_slice %arg5[%select_n3A_98, %dma_start3A_104] : memref<2x48640xf32, #tpu.memory_space<vmem>> -> memref<1x48640xf32, #tpu.memory_space<vmem>>
    %dma_start3A_106 = tpu.memref_squeeze %dma_start3A_105 : memref<1x48640xf32, #tpu.memory_space<vmem>> -> memref<48640xf32, #tpu.memory_space<vmem>>
    tpu.enqueue_dma source(%dma_start3A_106 : memref<48640xf32, #tpu.memory_space<vmem>>) target(%dma_start3A_103 : memref<48640xf32, #tpu.memory_space<hbm>>) target_semaphore(%arg8 : memref<!tpu.dma_semaphore, #tpu.memory_space<semaphore_mem>>)
    %add3A_107 = arith.constant 2 : i32
    %add3A_108 = arith.addi %arg0, %add3A_107 : i32
    %lt3A_109 = arith.constant 26 : i32
    %lt3A_110 = arith.cmpi slt, %add3A_108, %lt3A_109 : i32
    %convert_element_type3A_111 = arith.extui %lt3A_110 : i1 to i32
    %cond3A_112 = arith.constant 0 : i32
    %cond3A_113 = arith.cmpi ne, %convert_element_type3A_111, %cond3A_112 : i32
    scf.if %cond3A_113 {
      %ge3A = arith.constant 1 : i32
      %ge3A_119 = arith.cmpi sge, %arg0, %ge3A : i32
      %convert_element_type3A_120 = arith.extui %ge3A_119 : i1 to i32
      %cond3A_121 = arith.constant 0 : i32
      %cond3A_122 = arith.cmpi ne, %convert_element_type3A_120, %cond3A_121 : i32
      scf.if %cond3A_122 {
        %sub3A = arith.constant 1 : i32
        %sub3A_148 = arith.subi %arg0, %sub3A : i32
        %jit3A_149 = arith.constant 3 : i32
        %eq3A_150 = arith.constant 0 : i32
        %eq3A_151 = arith.cmpi eq, %jit3A_149, %eq3A_150 : i32
        %jit3A_152 = arith.constant 1 : i32
        %select_n3A_153 = arith.select %eq3A_151, %jit3A_152, %jit3A_149 : i32
        %rem3A_154 = arith.remsi %sub3A_148, %select_n3A_153 : i32
        %ne3A_155 = arith.constant 0 : i32
        %ne3A_156 = arith.cmpi ne, %rem3A_154, %ne3A_155 : i32
        %lt3A_157 = arith.constant 0 : i32
        %lt3A_158 = arith.cmpi slt, %rem3A_154, %lt3A_157 : i32
        %lt3A_159 = arith.constant 0 : i32
        %lt3A_160 = arith.cmpi slt, %select_n3A_153, %lt3A_159 : i32
        %ne3A_161 = arith.xori %lt3A_158, %lt3A_160 : i1
        %and3A_162 = arith.andi %ne3A_161, %ne3A_156 : i1
        %add3A_163 = arith.addi %rem3A_154, %select_n3A_153 : i32
        %select_n3A_164 = arith.select %and3A_162, %add3A_163, %rem3A_154 : i32
        %mul3A_165 = arith.constant 1048576 : i32
        %mul3A_166 = arith.muli %sub3A_148, %mul3A_165 : i32
        %dma_wait3A_167 = tpu.memref_slice %arg3[%mul3A_166] : memref<27262976xf32, #tpu.memory_space<hbm>> -> memref<999936xf32, #tpu.memory_space<hbm>>
        %dma_wait3A_168 = arith.constant 0 : i32
        %dma_wait3A_169 = tpu.memref_slice %arg4[%select_n3A_164, %dma_wait3A_168] : memref<3x999936xf32, #tpu.memory_space<vmem>> -> memref<1x999936xf32, #tpu.memory_space<vmem>>
        %dma_wait3A_170 = tpu.memref_squeeze %dma_wait3A_169 : memref<1x999936xf32, #tpu.memory_space<vmem>> -> memref<999936xf32, #tpu.memory_space<vmem>>
        tpu.wait_dma2 semaphore(%arg7 : memref<!tpu.dma_semaphore, #tpu.memory_space<semaphore_mem>>) src(%dma_wait3A_170 : memref<999936xf32, #tpu.memory_space<vmem>>) dst(%dma_wait3A_167 : memref<999936xf32, #tpu.memory_space<hbm>>)
      } else {
      }
      %add3A_123 = arith.constant 2 : i32
      %add3A_124 = arith.addi %arg0, %add3A_123 : i32
      %jit3A_125 = arith.constant 3 : i32
      %eq3A_126 = arith.constant 0 : i32
      %eq3A_127 = arith.cmpi eq, %jit3A_125, %eq3A_126 : i32
      %jit3A_128 = arith.constant 1 : i32
      %select_n3A_129 = arith.select %eq3A_127, %jit3A_128, %jit3A_125 : i32
      %rem3A_130 = arith.remsi %add3A_124, %select_n3A_129 : i32
      %ne3A_131 = arith.constant 0 : i32
      %ne3A_132 = arith.cmpi ne, %rem3A_130, %ne3A_131 : i32
      %lt3A_133 = arith.constant 0 : i32
      %lt3A_134 = arith.cmpi slt, %rem3A_130, %lt3A_133 : i32
      %lt3A_135 = arith.constant 0 : i32
      %lt3A_136 = arith.cmpi slt, %select_n3A_129, %lt3A_135 : i32
      %ne3A_137 = arith.xori %lt3A_134, %lt3A_136 : i1
      %and3A_138 = arith.andi %ne3A_137, %ne3A_132 : i1
      %add3A_139 = arith.addi %rem3A_130, %select_n3A_129 : i32
      %select_n3A_140 = arith.select %and3A_138, %add3A_139, %rem3A_130 : i32
      %dma_start3A_141 = arith.constant 0 : i32
      %dma_start3A_142 = arith.constant 0 : i32
      %dma_start3A_143 = tpu.memref_slice %arg4[%select_n3A_140, %dma_start3A_142] : memref<3x999936xf32, #tpu.memory_space<vmem>> -> memref<1x999936xf32, #tpu.memory_space<vmem>>
      %dma_start3A_144 = tpu.memref_squeeze %dma_start3A_143 : memref<1x999936xf32, #tpu.memory_space<vmem>> -> memref<999936xf32, #tpu.memory_space<vmem>>
      %dma_start3A_145 = arith.constant 0 : i32
      %dma_start3A_146 = tpu.memref_slice %arg1[%add3A_124, %dma_start3A_141, %dma_start3A_145] : memref<26x1x1000000xf32, #tpu.memory_space<hbm>> -> memref<1x1x999936xf32, #tpu.memory_space<hbm>>
      %dma_start3A_147 = tpu.memref_squeeze %dma_start3A_146 : memref<1x1x999936xf32, #tpu.memory_space<hbm>> -> memref<999936xf32, #tpu.memory_space<hbm>>
      tpu.enqueue_dma source(%dma_start3A_147 : memref<999936xf32, #tpu.memory_space<hbm>>) target(%dma_start3A_144 : memref<999936xf32, #tpu.memory_space<vmem>>) target_semaphore(%arg6 : memref<!tpu.dma_semaphore, #tpu.memory_space<semaphore_mem>>)
    } else {
    }
    %eq3A_114 = arith.constant 25 : i32
    %eq3A_115 = arith.cmpi eq, %arg0, %eq3A_114 : i32
    %convert_element_type3A_116 = arith.extui %eq3A_115 : i1 to i32
    %cond3A_117 = arith.constant 0 : i32
    %cond3A_118 = arith.cmpi ne, %convert_element_type3A_116, %cond3A_117 : i32
    scf.if %cond3A_118 {
      %sub3A = arith.constant 2 : i32
      %sub3A_119 = arith.subi %arg0, %sub3A : i32
      %jit3A_120 = arith.constant 3 : i32
      %eq3A_121 = arith.constant 0 : i32
      %eq3A_122 = arith.cmpi eq, %jit3A_120, %eq3A_121 : i32
      %jit3A_123 = arith.constant 1 : i32
      %select_n3A_124 = arith.select %eq3A_122, %jit3A_123, %jit3A_120 : i32
      %rem3A_125 = arith.remsi %sub3A_119, %select_n3A_124 : i32
      %ne3A_126 = arith.constant 0 : i32
      %ne3A_127 = arith.cmpi ne, %rem3A_125, %ne3A_126 : i32
      %lt3A_128 = arith.constant 0 : i32
      %lt3A_129 = arith.cmpi slt, %rem3A_125, %lt3A_128 : i32
      %lt3A_130 = arith.constant 0 : i32
      %lt3A_131 = arith.cmpi slt, %select_n3A_124, %lt3A_130 : i32
      %ne3A_132 = arith.xori %lt3A_129, %lt3A_131 : i1
      %and3A_133 = arith.andi %ne3A_132, %ne3A_127 : i1
      %add3A_134 = arith.addi %rem3A_125, %select_n3A_124 : i32
      %select_n3A_135 = arith.select %and3A_133, %add3A_134, %rem3A_125 : i32
      %mul3A_136 = arith.constant 1048576 : i32
      %mul3A_137 = arith.muli %sub3A_119, %mul3A_136 : i32
      %dma_wait3A_138 = tpu.memref_slice %arg3[%mul3A_137] : memref<27262976xf32, #tpu.memory_space<hbm>> -> memref<999936xf32, #tpu.memory_space<hbm>>
      %dma_wait3A_139 = arith.constant 0 : i32
      %dma_wait3A_140 = tpu.memref_slice %arg4[%select_n3A_135, %dma_wait3A_139] : memref<3x999936xf32, #tpu.memory_space<vmem>> -> memref<1x999936xf32, #tpu.memory_space<vmem>>
      %dma_wait3A_141 = tpu.memref_squeeze %dma_wait3A_140 : memref<1x999936xf32, #tpu.memory_space<vmem>> -> memref<999936xf32, #tpu.memory_space<vmem>>
      tpu.wait_dma2 semaphore(%arg7 : memref<!tpu.dma_semaphore, #tpu.memory_space<semaphore_mem>>) src(%dma_wait3A_141 : memref<999936xf32, #tpu.memory_space<vmem>>) dst(%dma_wait3A_138 : memref<999936xf32, #tpu.memory_space<hbm>>)
      %sub3A_142 = arith.constant 1 : i32
      %sub3A_143 = arith.subi %arg0, %sub3A_142 : i32
      %jit3A_144 = arith.constant 3 : i32
      %eq3A_145 = arith.constant 0 : i32
      %eq3A_146 = arith.cmpi eq, %jit3A_144, %eq3A_145 : i32
      %jit3A_147 = arith.constant 1 : i32
      %select_n3A_148 = arith.select %eq3A_146, %jit3A_147, %jit3A_144 : i32
      %rem3A_149 = arith.remsi %sub3A_143, %select_n3A_148 : i32
      %ne3A_150 = arith.constant 0 : i32
      %ne3A_151 = arith.cmpi ne, %rem3A_149, %ne3A_150 : i32
      %lt3A_152 = arith.constant 0 : i32
      %lt3A_153 = arith.cmpi slt, %rem3A_149, %lt3A_152 : i32
      %lt3A_154 = arith.constant 0 : i32
      %lt3A_155 = arith.cmpi slt, %select_n3A_148, %lt3A_154 : i32
      %ne3A_156 = arith.xori %lt3A_153, %lt3A_155 : i1
      %and3A_157 = arith.andi %ne3A_156, %ne3A_151 : i1
      %add3A_158 = arith.addi %rem3A_149, %select_n3A_148 : i32
      %select_n3A_159 = arith.select %and3A_157, %add3A_158, %rem3A_149 : i32
      %mul3A_160 = arith.constant 1048576 : i32
      %mul3A_161 = arith.muli %sub3A_143, %mul3A_160 : i32
      %dma_wait3A_162 = tpu.memref_slice %arg3[%mul3A_161] : memref<27262976xf32, #tpu.memory_space<hbm>> -> memref<999936xf32, #tpu.memory_space<hbm>>
      %dma_wait3A_163 = arith.constant 0 : i32
      %dma_wait3A_164 = tpu.memref_slice %arg4[%select_n3A_159, %dma_wait3A_163] : memref<3x999936xf32, #tpu.memory_space<vmem>> -> memref<1x999936xf32, #tpu.memory_space<vmem>>
      %dma_wait3A_165 = tpu.memref_squeeze %dma_wait3A_164 : memref<1x999936xf32, #tpu.memory_space<vmem>> -> memref<999936xf32, #tpu.memory_space<vmem>>
      tpu.wait_dma2 semaphore(%arg7 : memref<!tpu.dma_semaphore, #tpu.memory_space<semaphore_mem>>) src(%dma_wait3A_165 : memref<999936xf32, #tpu.memory_space<vmem>>) dst(%dma_wait3A_162 : memref<999936xf32, #tpu.memory_space<hbm>>)
      %jit3A_166 = arith.constant 3 : i32
      %eq3A_167 = arith.constant 0 : i32
      %eq3A_168 = arith.cmpi eq, %jit3A_166, %eq3A_167 : i32
      %jit3A_169 = arith.constant 1 : i32
      %select_n3A_170 = arith.select %eq3A_168, %jit3A_169, %jit3A_166 : i32
      %rem3A_171 = arith.remsi %arg0, %select_n3A_170 : i32
      %ne3A_172 = arith.constant 0 : i32
      %ne3A_173 = arith.cmpi ne, %rem3A_171, %ne3A_172 : i32
      %lt3A_174 = arith.constant 0 : i32
      %lt3A_175 = arith.cmpi slt, %rem3A_171, %lt3A_174 : i32
      %lt3A_176 = arith.constant 0 : i32
      %lt3A_177 = arith.cmpi slt, %select_n3A_170, %lt3A_176 : i32
      %ne3A_178 = arith.xori %lt3A_175, %lt3A_177 : i1
      %and3A_179 = arith.andi %ne3A_178, %ne3A_173 : i1
      %add3A_180 = arith.addi %rem3A_171, %select_n3A_170 : i32
      %select_n3A_181 = arith.select %and3A_179, %add3A_180, %rem3A_171 : i32
      %mul3A_182 = arith.constant 1048576 : i32
      %mul3A_183 = arith.muli %arg0, %mul3A_182 : i32
      %dma_wait3A_184 = tpu.memref_slice %arg3[%mul3A_183] : memref<27262976xf32, #tpu.memory_space<hbm>> -> memref<999936xf32, #tpu.memory_space<hbm>>
      %dma_wait3A_185 = arith.constant 0 : i32
      %dma_wait3A_186 = tpu.memref_slice %arg4[%select_n3A_181, %dma_wait3A_185] : memref<3x999936xf32, #tpu.memory_space<vmem>> -> memref<1x999936xf32, #tpu.memory_space<vmem>>
      %dma_wait3A_187 = tpu.memref_squeeze %dma_wait3A_186 : memref<1x999936xf32, #tpu.memory_space<vmem>> -> memref<999936xf32, #tpu.memory_space<vmem>>
      tpu.wait_dma2 semaphore(%arg7 : memref<!tpu.dma_semaphore, #tpu.memory_space<semaphore_mem>>) src(%dma_wait3A_187 : memref<999936xf32, #tpu.memory_space<vmem>>) dst(%dma_wait3A_184 : memref<999936xf32, #tpu.memory_space<hbm>>)
      %sub3A_188 = arith.constant 1 : i32
      %sub3A_189 = arith.subi %arg0, %sub3A_188 : i32
      %jit3A_190 = arith.constant 2 : i32
      %eq3A_191 = arith.constant 0 : i32
      %eq3A_192 = arith.cmpi eq, %jit3A_190, %eq3A_191 : i32
      %jit3A_193 = arith.constant 1 : i32
      %select_n3A_194 = arith.select %eq3A_192, %jit3A_193, %jit3A_190 : i32
      %rem3A_195 = arith.remsi %sub3A_189, %select_n3A_194 : i32
      %ne3A_196 = arith.constant 0 : i32
      %ne3A_197 = arith.cmpi ne, %rem3A_195, %ne3A_196 : i32
      %lt3A_198 = arith.constant 0 : i32
      %lt3A_199 = arith.cmpi slt, %rem3A_195, %lt3A_198 : i32
      %lt3A_200 = arith.constant 0 : i32
      %lt3A_201 = arith.cmpi slt, %select_n3A_194, %lt3A_200 : i32
      %ne3A_202 = arith.xori %lt3A_199, %lt3A_201 : i1
      %and3A_203 = arith.andi %ne3A_202, %ne3A_197 : i1
      %add3A_204 = arith.addi %rem3A_195, %select_n3A_194 : i32
      %select_n3A_205 = arith.select %and3A_203, %add3A_204, %rem3A_195 : i32
      %mul3A_206 = arith.constant 1048576 : i32
      %mul3A_207 = arith.muli %sub3A_189, %mul3A_206 : i32
      %add3A_208 = arith.constant 999936 : i32
      %add3A_209 = arith.addi %mul3A_207, %add3A_208 : i32
      %dma_wait3A_210 = tpu.memref_slice %arg3[%add3A_209] : memref<27262976xf32, #tpu.memory_space<hbm>> -> memref<48640xf32, #tpu.memory_space<hbm>>
      %dma_wait3A_211 = arith.constant 0 : i32
      %dma_wait3A_212 = tpu.memref_slice %arg5[%select_n3A_205, %dma_wait3A_211] : memref<2x48640xf32, #tpu.memory_space<vmem>> -> memref<1x48640xf32, #tpu.memory_space<vmem>>
      %dma_wait3A_213 = tpu.memref_squeeze %dma_wait3A_212 : memref<1x48640xf32, #tpu.memory_space<vmem>> -> memref<48640xf32, #tpu.memory_space<vmem>>
      tpu.wait_dma2 semaphore(%arg8 : memref<!tpu.dma_semaphore, #tpu.memory_space<semaphore_mem>>) src(%dma_wait3A_213 : memref<48640xf32, #tpu.memory_space<vmem>>) dst(%dma_wait3A_210 : memref<48640xf32, #tpu.memory_space<hbm>>)
      %jit3A_214 = arith.constant 2 : i32
      %eq3A_215 = arith.constant 0 : i32
      %eq3A_216 = arith.cmpi eq, %jit3A_214, %eq3A_215 : i32
      %jit3A_217 = arith.constant 1 : i32
      %select_n3A_218 = arith.select %eq3A_216, %jit3A_217, %jit3A_214 : i32
      %rem3A_219 = arith.remsi %arg0, %select_n3A_218 : i32
      %ne3A_220 = arith.constant 0 : i32
      %ne3A_221 = arith.cmpi ne, %rem3A_219, %ne3A_220 : i32
      %lt3A_222 = arith.constant 0 : i32
      %lt3A_223 = arith.cmpi slt, %rem3A_219, %lt3A_222 : i32
      %lt3A_224 = arith.constant 0 : i32
      %lt3A_225 = arith.cmpi slt, %select_n3A_218, %lt3A_224 : i32
      %ne3A_226 = arith.xori %lt3A_223, %lt3A_225 : i1
      %and3A_227 = arith.andi %ne3A_226, %ne3A_221 : i1
      %add3A_228 = arith.addi %rem3A_219, %select_n3A_218 : i32
      %select_n3A_229 = arith.select %and3A_227, %add3A_228, %rem3A_219 : i32
      %mul3A_230 = arith.constant 1048576 : i32
      %mul3A_231 = arith.muli %arg0, %mul3A_230 : i32
      %add3A_232 = arith.constant 999936 : i32
      %add3A_233 = arith.addi %mul3A_231, %add3A_232 : i32
      %dma_wait3A_234 = tpu.memref_slice %arg3[%add3A_233] : memref<27262976xf32, #tpu.memory_space<hbm>> -> memref<48640xf32, #tpu.memory_space<hbm>>
      %dma_wait3A_235 = arith.constant 0 : i32
      %dma_wait3A_236 = tpu.memref_slice %arg5[%select_n3A_229, %dma_wait3A_235] : memref<2x48640xf32, #tpu.memory_space<vmem>> -> memref<1x48640xf32, #tpu.memory_space<vmem>>
      %dma_wait3A_237 = tpu.memref_squeeze %dma_wait3A_236 : memref<1x48640xf32, #tpu.memory_space<vmem>> -> memref<48640xf32, #tpu.memory_space<vmem>>
      tpu.wait_dma2 semaphore(%arg8 : memref<!tpu.dma_semaphore, #tpu.memory_space<semaphore_mem>>) src(%dma_wait3A_237 : memref<48640xf32, #tpu.memory_space<vmem>>) dst(%dma_wait3A_234 : memref<48640xf32, #tpu.memory_space<hbm>>)
    } else {
    }
    return
  }
  func.func @transform_1(%arg0: i32) -> (i32, i32) {
    %c0_i32 = arith.constant 0 : i32
    %c0_i32_0 = arith.constant 0 : i32
    %c0_i32_1 = arith.constant 0 : i32
    return %c0_i32, %c0_i32_0 : i32, i32
  }
}

</mosaic_0001>

<sc_bundles>
// kernel: kernel.4.cloned.1.call-start
scs
__scs_entry_jumppad:
0x0: {  	(pc) =	sbr.rel $0x88, $3  }
0x1: {  	(tag) =	ssettag $0x0;
	lr =	simm.s32 $0x1  }
0x2: {  	[smem:$0x3F9E] =	sst lr;
	_ =	strace $0xD0000000  }
0x3: {  	_ = 	snop  }
0x4: {  	_ = 	snop  }
0x5: {  	_ = 	snop  }
0x6: {  	_ = 	snop  }
0x7: {  	_ = 	snop  }
__scs_overlays_trampoline_lowered:
0x8: {  	[smem:$0x3FAD] =	sst s0  }
0x9: {  	[smem:$0x3FAE] =	sst s1  }
0xa: {  	[smem:$0x3FAF] =	sst s2  }
0xb: {  	[smem:$0x3FB0] =	sst s3  }
0xc: {  	[smem:$0x3FB1] =	sst s4  }
0xd: {  	[smem:$0x3FB2] =	sst s5  }
0xe: {  	[smem:$0x3FB3] =	sst s6  }
0xf: {  	[smem:$0x3FB4] =	sst s7  }
0x10: {  	[smem:$0x3FB5] =	sst s8  }
0x11: {  	[smem:$0x3FB6] =	sst s9;
	s0 =	simm.s32 @!p0 $0x0  }
0x12: {  	s1 =	sld [smem:$0x3F9C];
	s0 =	simm.s32 @p0 $0x1  }
0x13: {  	[smem:$0x3FB7] =	sst s0;
	s0 =	simm.s32 @!p1 $0x0  }
0x14: {  	s2 =	sld [smem:$0x3F9B];
	s0 =	simm.s32 @p1 $0x1  }
0x15: {  	[smem:$0x3FB8] =	sst s0;
	s0 =	simm.s32 @!p2 $0x0  }
0x16: {  	s3 =	sld [smem:$0x3FDB];
	s0 =	simm.s32 @p2 $0x1  }
0x17: {  	s4 =	simm.s32 $0x1BF5;
	[smem:$0x3FBA] =	sst s0  }
0x18: {  	s0 =	sld [smem:$0x3F9D];
	_ =	swait.ge [sflag:s4], $0x0  }
0x19: {  	s7 =	sld [smem:$0x3F9E]  }
0x1a: {  	s8 =	sadd.s32 $0xFFFFE003, lr  }
0x1b: {  	s9 =	sadd.s32 $0xFFFFFEF7, lr;
	s5 =	simm.s32 $0xFFFFFFFF;
	p2 =	slt.u32 s8, $0xFFFFF086  }
0x1c: {  	p1 =	slt.u32 s9, $0xF7A;
	s5 =	simm.s32 @!p2 $0x0  }
0x1d: {  	s5 =	simm.s32 @p1 $0x1;
	p0 =	seq.s32 s7, s2  }
0x1e: {  	s7 =	smul.u32 @!p0 $0xF7A, s2;
	p2 =	seq.s32 @!p0 s5, $0x0  }
0x1f: {  	s9 =	smul.u32 $0xF7A, s1;
	s8 =	simm.s32 @!p0 $0x1BF5;
	p2 =	por !p2, p0  }
0x20: {  	[sflag:s8] =	ssyncset.s32 @!p0 $0xFFFFF086;
	s6 =	sadd.s32 @!p0 s3, s7;
	s7 =	simm.s32 @!p0 $0x108  }
0x21: {  	s3 =	sadd.s32 s3, s9;
	s6 =	sadd.s32 @!p0 $0x88, s6;
	s7 =	simm.s32 @p2 $0x1082  }
0x22: {  	[simem:s7], [sflag:s8] =	dma.local @!p0 [hbm:s6], $0xF7A  }
0x23: {  	s9 =	sor.u32 $0xD0000000, s2;
	s6 =	simm.s32 $0x108;
	_ =	swait.ge @!p0 [sflag:s8], $0x0  }
0x24: {  	s3 =	sadd.s32 $0x88, s3;
	s6 =	simm.s32 @!p1 $0x1082;
	[sflag:s4] =	ssyncset.s32 $0xFFFFF086  }
0x25: {  	[simem:s6], [sflag:s4] =	dma.local [hbm:s3], $0xF7A  }
0x26: {  	[smem:$0x3F9E] =	sst s1;
	(tag) =	ssettag s2;
	_ =	strace s9  }
0x27: {  	s1 =	sld [smem:$0x3FAE]  }
0x28: {  	s2 =	sld [smem:$0x3FAF]  }
0x29: {  	s4 =	sld [smem:$0x3FB1]  }
0x2a: {  	p0 =	seq.s32 s5, $0x0;
	s5 =	sld [smem:$0x3FB2]  }
0x2b: {  	s6 =	sld [smem:$0x3FB3]  }
0x2c: {  	s7 =	sld [smem:$0x3FB4]  }
0x2d: {  	s3 =	simm.s32 $0x108;
	s8 =	sld [smem:$0x3FB5]  }
0x2e: {  	s3 =	simm.s32 @!p0 $0x1082;
	s9 =	sld [smem:$0x3FB6]  }
0x2f: {  	lr =	sadd.s32 s0, s3;
	s0 =	sld [smem:$0x3FAD]  }
0x30: {  	s3 =	sld [smem:$0x3FB0]  }
0x31: {  	[smem:$0x3FB9] =	sst s10  }
0x32: {  	s10 =	sld [smem:$0x3FB7];
	_ =	sdelay $0x3  }
0x33: {  	p0 =	seq.s32 s10, $0x1;
	s10 =	sld [smem:$0x3FB9];
	_ =	sdelay $0x3  }
0x34: {  	[smem:$0x3FB9] =	sst s10  }
0x35: {  	s10 =	sld [smem:$0x3FB8];
	_ =	sdelay $0x3  }
0x36: {  	p1 =	seq.s32 s10, $0x1;
	s10 =	sld [smem:$0x3FB9];
	_ =	sdelay $0x3  }
0x37: {  	[smem:$0x3FB9] =	sst s10  }
0x38: {  	s10 =	sld [smem:$0x3FBA]  }
0x39: {  	_ = 	snop;
	(pc) =	sbr.ind lr, $3  }
0x3a: {  	_ = 	snop  }
0x3b: {  	_ = 	snop  }
0x3c: {  	p2 =	seq.s32 s10, $0x1;
	s10 =	sld [smem:$0x3FB9]  }
0x3d: {  	_ =	shalt  }
0x3e: {  	_ =	shalt  }
0x3f: {  	_ =	shalt  }
0x40: {  	_ =	shalt  }
0x41: {  	_ =	shalt  }
0x42: {  	_ =	shalt  }
0x43: {  	_ =	shalt  }
0x44: {  	_ =	shalt  }
0x45: {  	_ =	shalt  }
0x46: {  	_ =	shalt  }
0x47: {  	_ =	shalt  }
0x48: {  	_ =	shalt  }
0x49: {  	_ =	shalt  }
0x4a: {  	_ =	shalt  }
0x4b: {  	_ =	shalt  }
0x4c: {  	_ =	shalt  }
0x4d: {  	_ =	shalt  }
0x4e: {  	_ =	shalt  }
0x4f: {  	_ =	shalt  }
0x50: {  	_ =	shalt  }
0x51: {  	_ =	shalt  }
0x52: {  	_ =	shalt  }
0x53: {  	_ =	shalt  }
0x54: {  	_ =	shalt  }
0x55: {  	_ =	shalt  }
0x56: {  	_ =	shalt  }
0x57: {  	_ =	shalt  }
0x58: {  	_ =	shalt  }
0x59: {  	_ =	shalt  }
0x5a: {  	_ =	shalt  }
0x5b: {  	_ =	shalt  }
0x5c: {  	_ =	shalt  }
0x5d: {  	_ =	shalt  }
0x5e: {  	_ =	shalt  }
0x5f: {  	_ =	shalt  }
0x60: {  	_ =	shalt  }
0x61: {  	_ =	shalt  }
0x62: {  	_ =	shalt  }
0x63: {  	_ =	shalt  }
0x64: {  	_ =	shalt  }
0x65: {  	_ =	shalt  }
0x66: {  	_ =	shalt  }
0x67: {  	_ =	shalt  }
0x68: {  	_ =	shalt  }
0x69: {  	_ =	shalt  }
0x6a: {  	_ =	shalt  }
0x6b: {  	_ =	shalt  }
0x6c: {  	_ =	shalt  }
0x6d: {  	_ =	shalt  }
0x6e: {  	_ =	shalt  }
0x6f: {  	_ =	shalt  }
0x70: {  	_ =	shalt  }
0x71: {  	_ =	shalt  }
0x72: {  	_ =	shalt  }
0x73: {  	_ =	shalt  }
0x74: {  	_ =	shalt  }
0x75: {  	_ =	shalt  }
0x76: {  	_ =	shalt  }
0x77: {  	_ =	shalt  }
0x78: {  	_ =	shalt  }
0x79: {  	_ =	shalt  }
0x7a: {  	_ =	shalt  }
0x7b: {  	_ =	shalt  }
0x7c: {  	_ =	shalt  }
0x7d: {  	_ =	shalt  }
0x7e: {  	_ =	shalt  }
0x7f: {  	_ =	shalt  }
0x80: {  	_ =	shalt  }
0x81: {  	_ =	shalt  }
0x82: {  	_ =	shalt  }
0x83: {  	_ =	shalt  }
0x84: {  	_ =	shalt  }
0x85: {  	_ =	shalt  }
0x86: {  	_ =	shalt  }
0x87: {  	_ =	shalt  }
.Lfunc_end0:
.L_simem_size_0:
called_computation_lowered:
.L_overlay_start_0:
0x88: {  	s2 =	sld [smem:$0x3FD9]  }
0x89: {  	s3 =	sld [smem:$0x3FFE];
	_ =	sdelay $0x1  }
0x8a: {  	s1 =	srdreg.scid  }
0x8b: {  	s0 =	sand.u32 $0x1, s1  }
0x8c: {  	s17 =	sshll.u32 s0, $0xA;
	s2 =	sadd.s32 s3, s2  }
0x8d: {  	s2 =	sadd.s32 s2, s17  }
0x8e: {  	[smem:$0x3FC5] =	sst s2  }
0x8f: {  	_ = 	snop  }
0x90: {  	s2 =	sld [smem:$0x3FC9]  }
0x91: {  	s18 =	sld [smem:$0x3FD0];
	(tm) =	ssettm $0x1  }
0x92: {  	s4 =	sld [smem:$0x3FFB];
	_ =	sdelay $0x3  }
0x93: {  	_ =	strace s4  }
0x94: {  	s4 =	sld [smem:$0x3FFC];
	_ =	sdelay $0x3  }
0x95: {  	_ =	strace s4  }
0x96: {  	s4 =	sld [smem:$0x3FFD];
	_ =	sdelay $0x3  }
0x97: {  	_ =	strace s4  }
0x98: {  	_ =	strace $0x8FFFFFFF  }
0x99: {  	s19 =	sld [smem:$0x3FDB];
	_ =	sdelay $0x1  }
0x9a: {  	s5 =	simm.s32 $_scs_section_size  }
0x9b: {  	s6 =	simm.s32 $_size__tile_overlayer_lowered;
	s7 =	simm.s32 $_tile_overlayer_lowered  }
0x9c: {  	s22 =	simm.s32 $0x1BFF;
	s21 =	sshll.u32 s7, $0x1;
	s4 =	sadd.s32 s5, s19  }
0x9d: {  	s8 =	simm.s32 $0x0;
	s20 =	sshll.u32 s6, $0x1;
	s6 =	sadd.s32 s21, s4  }
0x9e: {  	[timem:s8], [sflag:s22] =	dma.local [hbm:s6], s20  }
0x9f: {  	_ =	swait.ge [sflag:s22], s20  }
0xa0: {  	s5 =	ssub.s32 $0x0, s20;
	[sflag:s22] =	ssyncset.done $0x0  }
0xa1: {  	[sflag:s22] =	ssyncadd.s32 s5;
	_ =	sdelay $0x1  }
0xa2: {  	s23 =	simm.s32 $0x1B8B  }
0xa3: {  	_ =	swait.ge [sflag:s23], $0x1  }
0xa4: {  	[sflag:s23] =	ssyncset.done $0x0  }
0xa5: {  	s25 =	simm.s32 $0x1B8E;
	s24 =	sld [smem:$0x3FFE];
	[sflag:s23] =	ssyncadd.s32 $0xFFFFFFFF  }
0xa6: {  	s26 =	simm.s32 $execute0_lowered;
	[smem:$0x3FD2] =	sst s25  }
0xa7: {  	s6 =	sshll.u32 s26, $0x1;
	_ =	strace $0x80000046;
	[dreg:$0x1] =	wrdreg $0xFFFFFFFF  }
0xa8: {  	s28 =	simm.s32 $_size_execute0_lowered;
	s4 =	sadd.s32 s4, s6;
	[dreg:$0x0] =	wrdreg $0x0  }
0xa9: {  	s6 =	sshll.u32 s28, $0x1;
	[dreg:$0x2] =	wrdreg s4  }
0xaa: {  	[dreg:$0x3] =	wrdreg s6  }
0xab: {  	[dreg:$0x4] =	wrdreg $0xC0  }
0xac: {  	_ =	task [dreg:s8], $0x5FFFF  }
0xad: {  	[dreg:$0x1] =	wrdreg $0xFFFFFFFF  }
0xae: {  	[dreg:$0x0] =	wrdreg $0x60  }
0xaf: {  	[dreg:$0x2] =	wrdreg s2  }
0xb0: {  	[dreg:$0x3] =	wrdreg s24  }
0xb1: {  	[dreg:$0x4] =	wrdreg s18  }
0xb2: {  	[dreg:$0x5] =	wrdreg $0x9  }
0xb3: {  	_ =	task.clear_ibuf [dreg:s8], $0x6FFFF;
	_ =	strace $0x90000046  }
0xb4: {  	s29 =	simm.s32 $0x9;
	_ =	strace $0x80000048  }
0xb5: {  	_ =	swait.ge [sflag:s29], $0x1  }
0xb6: {  	[sflag:s29] =	ssyncadd.s32 $0xFFFFFFFF  }
0xb7: {  	_ =	strace $0x90000048  }
0xb8: {  	_ =	sfence  }
0xb9: {  	s30 =	sld [smem:$0x0];
	_ =	sdelay $0x2  }
0xba: {  	s31 =	sshll.u32 s1, $0xD;
	s1 =	sshrl.u32 s1, $0x2  }
0xbb: {  	s3 =	sand.u32 $0x4000, s31;
	s1 =	sadd.s32 s1, s30  }
0xbc: {  	s0 =	sor.u32 s3, s0;
	s1 =	sshll.u32 s1, $0x11  }
0xbd: {  	s0 =	sor.u32 s1, s0  }
0xbe: {  	s0 =	sadd.s32 $0x8F2B, s0  }
0xbf: {  	[sflag:s0] =	ssyncadd.remote.s32 $0x1  }
0xc0: {  	_ =	sfence.sel $0xFFFF  }
0xc1: {  	[dreg:$0x0] =	wrdreg $0xFFFFFFFF;
	(pc) =	sbr.abs _section_cstart, $3  }
0xc2: {  	[dreg:$0x1] =	wrdreg $0xFFFFFFFF  }
0xc3: {  	_ =	task.clear_ibuf [dreg:s8], $0x2FFFF;
	_ =	strace $0x9FFFFFFF  }
0xc4: {  	(tm) =	ssettm $0x7FFFFFFF  }
0xc5: {  	_ =	shalt  }
tec
execute0_lowered:
.L_overlay_start_1:
0x0: {  	(tag) =	ssettag $0x1  }
0x1: {  	s5 =	rddreg [dreg:$0x0]  }
0x2: {  	s4 =	rddreg [dreg:$0x1]  }
0x3: {  	s6 =	rddreg [dreg:$0x2]  }
0x4: {  	s0 =	rddreg [dreg:$0x3];
	s1 =	simm.s32 $0x0  }
0x5: {  	s7 =	srdreg.scid;
	s2 =	stileid.u32;
	s11 =	simm.s32 $0xB800  }
0x6: {  	s12 =	simm.s32 $0x3400;
	s13 =	simm.s32 $0x5000;
	s14 =	simm.s32 $0x8400  }
0x7: {  	s15 =	simm.s32 $0x1;
	s16 =	simm.s32 $0xB900;
	s17 =	simm.s32 $0x0  }
0x8: {  	[smem:$0x7FF] =	sst s1;
	s3 =	sadd.s32 $0x600, s4;
	s7 =	sand.u32 $0x1, s7  }
0x9: {  	s9 =	sshll.u32 s2, $0xA;
	s4 =	sadd.s32 $0x400, s4;
	s8 =	ssub.s32 $0x2, s7  }
0xa: {  	_ =	strace $0x80000047;
	s7 =	sshll.u32 s7, $0x9;
	s10 =	sshrl.u32 s8, $0x1  }
0xb: {  	s7 =	sor.u32 s7, s9;
	s9 =	simm.s32 $0x20000;
	s8 =	ssub.s32 s8, s10  }
0xc: {  	s5 =	sadd.s32 s5, s7;
	s7 =	sshrl.u32 s7, $0x3;
	s10 =	simm.s32 $0x2  }
0xd: {  	s6 =	sadd.s32 s6, s7;
	s7 =	smax.u32 s8, $0x1;
	s8 =	simm.s32 $0x1000  }
.LBB2_1:
0xe: {  	[tilespmem:s1], [sflag:$0x2] =	stream.strided.gather [hbm4b:s5+s8], $0x5000, s9, s8, $0x38;
	[tilespmem:$0xBB00] =	vst v63  }
0xf: {  	_ =	swait.ge [sflag:s10], $0x5000  }
0x10: {  	s18 =	simm.s32 $0x0;
	s19 =	simm.s32 $0x0;
	[sflag:s10] =	ssyncset.done $0x0  }
0x11: {  	s20 =	sand.u32 $0xC00, s1;
	s18 =	sand.u32 $0x3000, s18;
	[sflag:s10] =	ssyncadd.s32 $0xFFFFB000  }
0x12: {  	[tilespmem:s11], [sflag:$0x2] =	stream.linear.gather [hbm4b:s4+s1], $0x100, $0x38;
	[tilespmem:$0xBB00] =	vst v63  }
0x13: {  	s19 =	sand.u32 $0x380, s19;
	s18 =	sor.u32 s20, s18;
	_ =	swait.ge [sflag:s10], $0x100  }
0x14: {  	s26 =	sand.u32 $0x70, s1;
	s18 =	sor.u32 s19, s18;
	[sflag:s10] =	ssyncset.done $0x0  }
0x15: {  	s18 =	sor.u32 s26, s18;
	[sflag:s10] =	ssyncadd.s32 $0xFFFFFF00  }
0x16: {  	v0 =	vld [tilespmem:s18+$0x0];
	_ =	sdelay $0x3  }
0x17: {  	s28 =	simm.s32 $0x0  }
0x18: {  	s29 =	simm.s32 $0x10;
	s30 =	simm.s32 $0x80;
	s21 =	simm.s32 $0x10;
	v0 =	vtrunc.f32 v0  }
0x19: {  	s22 =	simm.s32 $0x4;
	s21 =	sand.u32 $0x3000, s21;
	s20 =	sand.u32 $0xC00, s30;
	v0 =	vcvt.f32.s32 v0  }
0x1a: {  	s22 =	sand.u32 $0x380, s22;
	s20 =	sor.u32 s20, s21;
	s18 =	sand.u32 $0xFFF00000, s28  }
0x1b: {  	s19 =	sand.u32 $0x70, s29;
	s20 =	sor.u32 s22, s20;
	v0 =	vadd.s32 s18, v0  }
0x1c: {  	s31 =	sor.u32 s19, s20;
	[tilespmem:s13+$0x0] =	vst v0  }
0x1d: {  	v0 =	vld [tilespmem:s31+$0x0];
	_ =	sdelay $0x2  }
0x1e: {  	s23 =	simm.s32 $0x8000;
	s25 =	simm.s32 $0x20  }
0x1f: {  	s24 =	simm.s32 $0x8;
	s21 =	simm.s32 $0x100;
	s22 =	simm.s32 $0x3  }
0x20: {  	s19 =	simm.s32 $0x20;
	s20 =	simm.s32 $0x5000;
	s18 =	simm.s32 $0x2;
	v0 =	vtrunc.f32 v0  }
.LBB2_2:
0x21: {  	p0 =	sne.s32 s22, $0x33F;
	s25 =	sand.u32 $0x3000, s25;
	s26 =	sand.u32 $0xC00, s21;
	v0 =	vcvt.f32.s32 v0  }
0x22: {  	s24 =	sand.u32 $0x380, s24;
	s23 =	sand.u32 $0xFFF00000, s23;
	s25 =	sor.u32 s26, s25  }
0x23: {  	s20 =	sadd.s32 $0x10, s20;
	s26 =	sand.u32 $0x70, s19;
	s24 =	sor.u32 s24, s25;
	v0 =	vadd.s32 s23, v0  }
0x24: {  	s23 =	sor.u32 s26, s24;
	[tilespmem:s20+$0x0] =	vst v0;
	s24 =	smov.u32 s18;
	s18 =	smov.u32 s22  }
0x25: {  	v0 =	vld [tilespmem:s23+$0x0]  }
.Ltmp0:
0x26: {  	(pc) =	sbr.rel @p0 .LBB2_2-.Ltmp0, $3  }
0x27: {  	_ =	sdelay $0x1  }
0x28: {  	s21 =	sadd.s32 $0x80, s21;
	s19 =	sadd.s32 $0x10, s19;
	s23 =	sshll.u32 s24, $0xF  }
0x29: {  	s22 =	sadd.s32 $0x1, s22;
	s25 =	sshll.u32 s18, $0x4;
	s24 =	sshll.u32 s18, $0x2;
	v0 =	vtrunc.f32 v0  }
0x2a: {  	s22 =	sand.u32 $0x3000, s25;
	s21 =	sand.u32 $0xC00, s21;
	v0 =	vcvt.f32.s32 v0  }
0x2b: {  	s24 =	sand.u32 $0x380, s24;
	s30 =	sand.u32 $0xFFF00000, s23;
	s21 =	sor.u32 s21, s22  }
0x2c: {  	s19 =	sand.u32 $0x70, s19;
	s20 =	sadd.s32 $0x10, s20;
	s21 =	sor.u32 s24, s21;
	v0 =	vadd.s32 s30, v0  }
0x2d: {  	s19 =	sor.u32 s19, s21;
	[tilespmem:s20+$0x0] =	vst v0  }
0x2e: {  	v0 =	vld [tilespmem:s19+$0x0];
	_ =	sdelay $0x4  }
0x2f: {  	v0 =	vtrunc.f32 v0  }
0x30: {  	s18 =	sshll.u32 s18, $0xF;
	v0 =	vcvt.f32.s32 v0  }
0x31: {  	s18 =	sand.u32 $0xFFF00000, s18  }
0x32: {  	s31 =	sadd.s32 $0x10, s20;
	v0 =	vadd.s32 s18, v0  }
0x33: {  	[tilespmem:s31+$0x0] =	vst v0  }
0x34: {  	[tilespmem:s14], [sflag:$0x1] =	stream.indirect.gather [hbm4b:s3+s12], $0x1, s13, s12, $0xb8;
	[tilespmem:$0xBB00] =	vst v63  }
0x35: {  	_ =	swait.ge [sflag:s15], $0x3400  }
0x36: {  	[sflag:s15] =	ssyncset.done $0x0  }
0x37: {  	s18 =	simm.s32 $0x0;
	[sflag:s15] =	ssyncadd.s32 $0xFFFFCC00  }
.LBB2_4:
0x38: {  	s19 =	sshll.u32 s18, $0x4  }
0x39: {  	s20 =	sand.u32 $0x1F0, s19  }
0x3a: {  	v0 =	vld [tilespmem:s20+$0x8400];
	_ =	sdelay $0x1  }
0x3b: {  	v1 =	vld [tilespmem:s20+$0x8600];
	_ =	sdelay $0x1  }
0x3c: {  	v2 =	vld [tilespmem:s20+$0x8800]  }
0x3d: {  	v0 =	vadd.f32 $0.0e+00, v0  }
0x3e: {  	v3 =	vld [tilespmem:s20+$0x8A00]  }
0x3f: {  	v0 =	vadd.f32 v1, v0  }
0x40: {  	v1 =	vld [tilespmem:s20+$0x8C00]  }
0x41: {  	v0 =	vadd.f32 v2, v0  }
0x42: {  	v2 =	vld [tilespmem:s20+$0x8E00]  }
0x43: {  	v0 =	vadd.f32 v3, v0  }
0x44: {  	v3 =	vld [tilespmem:s20+$0x9000]  }
0x45: {  	v0 =	vadd.f32 v1, v0  }
0x46: {  	v1 =	vld [tilespmem:s20+$0x9200]  }
0x47: {  	v0 =	vadd.f32 v2, v0  }
0x48: {  	v2 =	vld [tilespmem:s20+$0x9400]  }
0x49: {  	v0 =	vadd.f32 v3, v0  }
0x4a: {  	v3 =	vld [tilespmem:s20+$0x9600]  }
0x4b: {  	v0 =	vadd.f32 v1, v0  }
0x4c: {  	v1 =	vld [tilespmem:s20+$0x9800]  }
0x4d: {  	v0 =	vadd.f32 v2, v0  }
0x4e: {  	v2 =	vld [tilespmem:s20+$0x9A00]  }
0x4f: {  	v0 =	vadd.f32 v3, v0  }
0x50: {  	v3 =	vld [tilespmem:s20+$0x9C00]  }
0x51: {  	v0 =	vadd.f32 v1, v0  }
0x52: {  	v1 =	vld [tilespmem:s20+$0x9E00]  }
0x53: {  	v0 =	vadd.f32 v2, v0  }
0x54: {  	v2 =	vld [tilespmem:s20+$0xA000]  }
0x55: {  	v0 =	vadd.f32 v3, v0  }
0x56: {  	v3 =	vld [tilespmem:s20+$0xA200]  }
0x57: {  	v0 =	vadd.f32 v1, v0  }
0x58: {  	v1 =	vld [tilespmem:s20+$0xA400]  }
0x59: {  	v0 =	vadd.f32 v2, v0  }
0x5a: {  	v2 =	vld [tilespmem:s20+$0xA600]  }
0x5b: {  	v0 =	vadd.f32 v3, v0  }
0x5c: {  	v3 =	vld [tilespmem:s20+$0xA800]  }
0x5d: {  	v0 =	vadd.f32 v1, v0  }
0x5e: {  	v1 =	vld [tilespmem:s20+$0xAA00]  }
0x5f: {  	v0 =	vadd.f32 v2, v0  }
0x60: {  	v2 =	vld [tilespmem:s20+$0xAC00]  }
0x61: {  	v0 =	vadd.f32 v3, v0  }
0x62: {  	v3 =	vld [tilespmem:s20+$0xAE00]  }
0x63: {  	v0 =	vadd.f32 v1, v0  }
0x64: {  	v1 =	vld [tilespmem:s20+$0xB000]  }
0x65: {  	v0 =	vadd.f32 v2, v0  }
0x66: {  	v2 =	vld [tilespmem:s20+$0xB200]  }
0x67: {  	v0 =	vadd.f32 v3, v0  }
0x68: {  	s21 =	sand.u32 $0x70, s19;
	v3 =	vld [tilespmem:s20+$0xB400]  }
0x69: {  	s30 =	sshll.u32 s18, $0x7;
	s31 =	simm.s32 $0x3400;
	v1 =	vadd.f32 v1, v0;
	v0 =	vmov s21  }
0x6a: {  	s22 =	simm.s32 $0xD00;
	v4 =	vld [tilespmem:s20+$0xB600];
	s20 =	sand.u32 $0xC00, s30;
	s21 =	sand.u32 $0x7000, s31  }
0x6b: {  	s22 =	sand.u32 $0x380, s22;
	s21 =	sor.u32 s21, s20;
	v1 =	vadd.f32 v2, v1  }
0x6c: {  	s22 =	sadd.s32 s22, s21;
	s21 =	simm.s32 $0xB800  }
0x6d: {  	v1 =	vadd.f32 v3, v1;
	v3 =	vld [tilespmem:s21+$0x0]  }
0x6e: {  	v2 =	vld.idx.msk [tilespmem:v0+s22+$0x0 ss:$0x1], $0xffff  }
0x6f: {  	s23 =	simm.s32 $0xD80;
	s22 =	simm.s32 $0x3600;
	v1 =	vadd.f32 v4, v1  }
.LBB2_5:
0x70: {  	s24 =	sand.u32 $0x7000, s22;
	p0 =	sne.s32 s22, $0x4C00;
	s22 =	sadd.s32 $0x200, s22  }
.Ltmp1:
0x71: {  	s25 =	sand.u32 $0x380, s23;
	s24 =	sor.u32 s24, s20;
	(pc) =	sbr.rel @p0 .LBB2_5-.Ltmp1, $4  }
0x72: {  	s24 =	sadd.s32 s25, s24  }
0x73: {  	s21 =	sadd.s32 $0x10, s21;
	v4 =	vmul.f32 v3, v2;
	v2 =	vld.idx.msk [tilespmem:v0+s24+$0x0 ss:$0x1], $0xffff  }
0x74: {  	v3 =	vld [tilespmem:s21+$0x0]  }
0x75: {  	s23 =	sadd.s32 $0x80, s23;
	v1 =	vadd.f32 v4, v1  }
0x76: {  	_ =	sdelay $0x2  }
0x77: {  	v0 =	vmul.f32 v3, v2;
	_ =	sdelay $0x1  }
0x78: {  	v0 =	vadd.f32 v0, v1;
	_ =	sdelay $0x1  }
0x79: {  	v0 =	vsub.f32 $0.0e+00, v0;
	_ =	sdelay $0x1  }
0x7a: {  	v0 =	vmul.f32 $1.442695020e+00, v0;
	_ =	sdelay $0x1  }
0x7b: {  	(erf) = vpow2.f32 v0;
	_ =	sdelay $0x8  }
0x7c: {  	v0 =	vpop (erf)  }
0x7d: {  	v0 =	vadd.f32 $1.000000000e+00, v0;
	_ =	sdelay $0x1  }
0x7e: {  	(erf) = vrcp.f32 v0;
	_ =	sdelay $0x3  }
0x7f: {  	s18 =	sadd.s32 $0x1, s18  }
0x80: {  	p0 =	sne.s32 s18, $0x20  }
.Ltmp2:
0x81: {  	_ = 	snop;
	(pc) =	sbr.rel @p0 .LBB2_4-.Ltmp2, $3  }
0x82: {  	_ =	sdelay $0x1  }
0x83: {  	s19 =	sand.u32 $0x3FFFFFF0, s19;
	v0 =	vpop (erf)  }
0x84: {  	[tilespmem:s19+$0xB900] =	vst v0  }
0x85: {  	s17 =	sadd.s32 $0x1, s17  }
0x86: {  	p0 =	sne.s32 s17, s7  }
.Ltmp3:
0x87: {  	_ = 	snop;
	(pc) =	sbr.rel @p0 .LBB2_1-.Ltmp3, $4  }
0x88: {  	[hbm4b:s6+s1] =	stream.linear.scatter [tilespmem:s16], [sflag:$0x2], $0x200, $0x38;
	[tilespmem:$0xBB00] =	vst v63  }
0x89: {  	_ =	swait.ge [sflag:s10], $0x200  }
0x8a: {  	[sflag:s10] =	ssyncset.done $0x0  }
0x8b: {  	[sflag:s10] =	ssyncadd.s32 $0xFFFFFE00  }
0x8c: {  	_ =	sfence.sel $0x180000  }
0x8d: {  	[bflag:$0x0] =	sbarrier.arrive $0xFFFF  }
0x8e: {  	p0 =	sne.s32 s2, $0x0;
	_ =	strace $0x90000047  }
0x8f: {  	s0 =	sadd.s32 @!p0 $0x100000, s0;
	[bflag:$0x2] =	sbarrier.arrive $0xFFFF  }
0x90: {  	[sflag:s0] =	ssyncadd.tile.s32 @!p0 $0x1;
	_ =	shalt  }
.Lfunc_end2:
_tile_overlayer_lowered:
.L_overlay_start_2:
0x91: {  	(tag) =	ssettag $0x2  }
0x92: {  	s0 =	rddreg [dreg:$0x0];
	s2 =	stileid.u32  }
0x93: {  	s1 =	rddreg [dreg:$0x1];
	p0 =	sne.s32 s2, $0x0  }
0x94: {  	s3 =	rddreg [dreg:$0x2];
	[bflag:$0x3] =	sbarrier.arrive $0xFFFF;
	s2 =	simm.s32 @!p0 $0x1C02  }
0x95: {  	[timem:s3], [sflag:s2] =	dma.local @!p0 [hbm:s0], s1  }
0x96: {  	s0 =	simm.s32 @!p0 $0x2  }
0x97: {  	_ =	swait.ge @!p0 [sflag:s0], s1  }
0x98: {  	s1 =	ssub.s32 @!p0 $0x0, s1;
	[sflag:s0] =	ssyncset.done @!p0 $0x0  }
0x99: {  	[sflag:s0] =	ssyncadd.s32 @!p0 s1  }
0x9a: {  	[bflag:$0x3] =	sbarrier.arrive $0xFFFF  }
0x9b: {  	_ =	shalt  }

</sc_bundles>
